<compile_context>
chip_gen: v7x
topology: tpu7x:2x2x1
jax: 0.10.2.dev20260603
libtpu: 0.0.44.dev20260713+nightly
codegen_flags: <defaults>
</compile_context>

<pallas_src>
import functools

import jax
import jax.numpy as jnp
from jax import lax
from jax.experimental import pallas as pl
from jax.experimental.pallas import tpu as pltpu
from jax.experimental.pallas import tpu_sc as plsc

_NC = 2
_NS = 16
_NW = _NC * _NS

_LANES = 128
_CHUNK = 6400
_NZCH = 10


@functools.lru_cache(maxsize=None)
def _build_sc_scatter(N, E):
    assert E % _CHUNK == 0
    n_chunks = E // _CHUNK
    k_iters = (n_chunks + _NW - 1) // _NW
    assert N % _NZCH == 0
    zlen = N // _NZCH
    assert zlen % 8 == 0

    mesh = plsc.VectorSubcoreMesh(core_axis_name="c", subcore_axis_name="s")

    @functools.partial(
        pl.kernel,
        mesh=mesh,
        out_type=[
            jax.ShapeDtypeStruct((N,), jnp.float32),
            jax.ShapeDtypeStruct((N,), jnp.float32),
            jax.ShapeDtypeStruct((N,), jnp.float32),
            jax.ShapeDtypeStruct((N,), jnp.float32),
        ],
        scratch_types=[
            pltpu.VMEM((2, _CHUNK), jnp.int32),
            pltpu.VMEM((2, _CHUNK), jnp.int32),
            pltpu.VMEM((_CHUNK,), jnp.int32),
            pltpu.VMEM((_CHUNK,), jnp.int32),
            pltpu.VMEM((_CHUNK,), jnp.int32),
            pltpu.VMEM((_CHUNK,), jnp.int32),
            pltpu.VMEM((_CHUNK,), jnp.float32),
            pltpu.VMEM((_CHUNK,), jnp.float32),
            pltpu.VMEM((_CHUNK,), jnp.float32),
            pltpu.VMEM_SHARED((N,), jnp.float32),
            pltpu.VMEM_SHARED((N,), jnp.float32),
            pltpu.VMEM_SHARED((N,), jnp.float32),
            pltpu.SemaphoreType.DMA,
            pltpu.SemaphoreType.DMA,
            pltpu.SemaphoreType.DMA,
            pltpu.SemaphoreType.DMA,
            pltpu.SemaphoreType.DMA,
        ],
        compiler_params=pltpu.CompilerParams(use_tc_tiling_on_sc=True),
    )
    def sc_scatter(x_hbm, edge_hbm, ones_hbm, zeros_hbm,
                   sum0_out, sum1_out, cnt0_out, cnt1_out,
                   edge0, edge1, src0, src1, dst0, dst1, val0, val1, ones_v,
                   x_sp, acc_s, acc_c,
                   sem_in0, sem_in1, sem_sc0, sem_sc1, sem_g):
        c = lax.axis_index("c")
        s = lax.axis_index("s")
        wid = c * _NS + s

        slots = ((edge0, src0, dst0, val0, sem_in0, sem_sc0),
                 (edge1, src1, dst1, val1, sem_in1, sem_sc1))

        pltpu.sync_copy(ones_hbm, ones_v)

        @pl.when(s < _NZCH)
        def _():
            off = s * zlen
            pltpu.sync_copy(zeros_hbm, val0.at[pl.ds(0, zlen)])
            pltpu.sync_copy(val0.at[pl.ds(0, zlen)], acc_s.at[pl.ds(off, zlen)])
            pltpu.sync_copy(val0.at[pl.ds(0, zlen)], acc_c.at[pl.ds(off, zlen)])
            pltpu.sync_copy(x_hbm.at[pl.ds(off, zlen)], val0.at[pl.ds(0, zlen)])
            pltpu.sync_copy(val0.at[pl.ds(0, zlen)], x_sp.at[pl.ds(off, zlen)])

        plsc.subcore_barrier()

        def issue_in(g, slot):
            edgeb, srcb, _, _, semi, _ = slot
            pltpu.async_copy(edge_hbm.at[0, pl.ds(g * _CHUNK, _CHUNK)], srcb, semi)
            pltpu.async_copy(edge_hbm.at[:, pl.ds(g * _CHUNK, _CHUNK)], edgeb, semi)

        def wait_in(g, slot):
            edgeb, srcb, _, _, semi, _ = slot
            pltpu.make_async_copy(edge_hbm.at[0, pl.ds(g * _CHUNK, _CHUNK)], srcb, semi).wait()
            pltpu.make_async_copy(edge_hbm.at[:, pl.ds(g * _CHUNK, _CHUNK)], edgeb, semi).wait()

        def wait_sc(slot):
            _, _, dstb, valb, _, sems = slot
            pltpu.make_async_copy(valb, acc_s.at[dstb], sems).wait()
            pltpu.make_async_copy(ones_v, acc_c.at[dstb], sems).wait()

        def body(k, cur, nxt):
            g = k * _NW + wid
            edgeb, srcb, dstb, valb, semi, sems = cur

            @pl.when(g < n_chunks)
            def _():
                wait_in(g, cur)

                @plsc.parallel_loop(0, _CHUNK, 16, unroll=8)
                def _(j):
                    dstb[pl.ds(j, 16)] = edgeb[1, pl.ds(j, 16)]

                pltpu.async_copy(ones_v, acc_c.at[dstb], sems, add=True)
                pltpu.async_copy(x_sp.at[srcb], valb, sem_g).wait()
                pltpu.async_copy(valb, acc_s.at[dstb], sems, add=True)

            @pl.when(jnp.logical_and(k >= 1, (g - _NW) < n_chunks))
            def _():
                wait_sc(nxt)

            @pl.when((g + _NW) < n_chunks)
            def _():
                issue_in(g + _NW, nxt)

        issue_in(wid, slots[0])

        def pair(p, carry):
            body(2 * p, slots[0], slots[1])
            body(2 * p + 1, slots[1], slots[0])
            return carry
        assert k_iters % 2 == 0
        lax.fori_loop(0, k_iters // 2, pair, 0)

        last = k_iters - 1

        @pl.when((last * _NW + wid) < n_chunks)
        def _():
            wait_sc(slots[last % 2])

        plsc.subcore_barrier()

        @pl.when(s < _NZCH)
        def _():
            off = s * zlen

            pltpu.sync_copy(acc_s.at[pl.ds(off, zlen)], val0.at[pl.ds(0, zlen)])

            @pl.when(c == 0)
            def _():
                pltpu.sync_copy(val0.at[pl.ds(0, zlen)], sum0_out.at[pl.ds(off, zlen)])

            @pl.when(c == 1)
            def _():
                pltpu.sync_copy(val0.at[pl.ds(0, zlen)], sum1_out.at[pl.ds(off, zlen)])

            pltpu.sync_copy(acc_c.at[pl.ds(off, zlen)], val0.at[pl.ds(0, zlen)])

            @pl.when(c == 0)
            def _():
                pltpu.sync_copy(val0.at[pl.ds(0, zlen)], cnt0_out.at[pl.ds(off, zlen)])

            @pl.when(c == 1)
            def _():
                pltpu.sync_copy(val0.at[pl.ds(0, zlen)], cnt1_out.at[pl.ds(off, zlen)])

    return sc_scatter


@functools.lru_cache(maxsize=None)
def _build_tc_dense(N):
    assert (N * 16) % _LANES == 0 and N % 8 == 0
    R = (N * 16) // _LANES

    def body(s0_ref, s1_ref, c0_ref, c1_ref, x_ref, k_ref, wl_ref, bl_ref,
             wr_ref, out_ref):
        ssum = s0_ref[...] + s1_ref[...]
        cnt = c0_ref[...] + c1_ref[...]
        aggr = ssum / jnp.maximum(cnt, 1.0)
        hi = jax.lax.Precision.HIGHEST
        rep = jax.lax.dot(aggr, k_ref[...], precision=hi)
        xrep = jax.lax.dot(x_ref[...], k_ref[...], precision=hi)
        out_ref[...] = jnp.maximum(
            rep * wl_ref[...] + bl_ref[...] + xrep * wr_ref[...], 0.0)

    br = 1600
    grid = (R + br - 1) // br
    vec_spec = pl.BlockSpec((1, _LANES), lambda i: (0, 0))
    col_spec = pl.BlockSpec((br, 8), lambda i: (i, 0))
    return pl.pallas_call(
        body,
        grid=(grid,),
        in_specs=[col_spec, col_spec, col_spec, col_spec, col_spec,
                  pl.BlockSpec((8, _LANES), lambda i: (0, 0)),
                  vec_spec, vec_spec, vec_spec],
        out_specs=pl.BlockSpec((br, _LANES), lambda i: (i, 0)),
        out_shape=jax.ShapeDtypeStruct((R, _LANES), jnp.float32),
    )


def kernel(x, edge_index, W_l, b_l, W_r):
    N, d_in = x.shape
    E = edge_index.shape[1]
    d_out = W_l.shape[0]
    assert d_in == 1 and d_out == 16

    x_flat = x.reshape(N)
    ones_h = jnp.ones((_CHUNK,), jnp.float32)
    zeros_h = jnp.zeros((N // _NZCH,), jnp.float32)
    s0, s1, c0, c1 = _build_sc_scatter(N, E)(x_flat, edge_index, ones_h, zeros_h)

    R = (N * 16) // _LANES
    s0 = s0.reshape(R, 8)
    s1 = s1.reshape(R, 8)
    c0 = c0.reshape(R, 8)
    c1 = c1.reshape(R, 8)
    x2 = x.reshape(R, 8)
    k_mat = jnp.repeat(jnp.eye(8, dtype=jnp.float32), 16, axis=1)
    wl = jnp.tile(W_l.reshape(-1), 8)[None, :]
    bl = jnp.tile(b_l, 8)[None, :]
    wr = jnp.tile(W_r.reshape(-1), 8)[None, :]
    out_flat = _build_tc_dense(N)(s0, s1, c0, c1, x2, k_mat, wl, bl, wr)
    return out_flat.reshape(N, 16)

# --- scband reference (transcript-rebuilt; emitter-appended) ---
"""Pipeline reference for scband-link-prediction-model-68204080660971 (READ-ONLY COPY).

The authoritative reference and input builder live on the scoring server;
editing this copy changes nothing except your own understanding.
"""

import jax, jax.numpy as jnp
import numpy as np

N = 100000
E = 6400000
D_IN = 1
D_OUT = 16

def setup_inputs(seed: int = 0) -> dict:
    key = jax.random.key(seed)
    k1, k2, k3, k4, k5 = jax.random.split(key, 5)
    x = jax.random.normal(k1, (N, D_IN), dtype=jnp.float32)
    edge_index = jax.random.randint(k2, (2, E), 0, N, dtype=jnp.int32)
    # SAGEConv(1, 16) parameters: lin_l (neighbor aggr, with bias), lin_r (root, no bias)
    W_l = jax.random.normal(k3, (D_OUT, D_IN), dtype=jnp.float32) * 0.1
    b_l = jnp.zeros((D_OUT,), dtype=jnp.float32)
    W_r = jax.random.normal(k4, (D_OUT, D_IN), dtype=jnp.float32) * 0.1
    return {"x": x, "edge_index": edge_index, "W_l": W_l, "b_l": b_l, "W_r": W_r}

def reference(x, edge_index, W_l, b_l, W_r):
    # Single hop of adjs loop: conv1 = SAGEConv(1,16), mean aggregation, then ReLU.
    # Dropout is identity in eval mode.
    src = edge_index[0]
    dst = edge_index[1]
    msg = jnp.take(x, src, axis=0)  # gather source-node features [E, D_IN]
    summ = jax.ops.segment_sum(msg, dst, num_segments=N)
    cnt = jax.ops.segment_sum(jnp.ones((msg.shape[0], 1), dtype=x.dtype), dst, num_segments=N)
    aggr = summ / jnp.maximum(cnt, 1.0)  # mean aggregation
    out = aggr @ W_l.T + b_l + x @ W_r.T
    out = jax.nn.relu(out)
    return out

if __name__ == "__main__":
    import jax
    _d = setup_inputs()
    print(jax.jit(kernel)(*tuple(_d.values())))

</pallas_src>

<mosaic_0001>
#map = affine_map<(d0, d1) -> (0)>
#map1 = affine_map<(d0, d1) -> (0, 0)>
module attributes {stable_mosaic.version = 14 : i64} {
  func.func @sc_scatter(%arg0: i32, %arg1: i32, %arg2: memref<100000xf32, #tpu.memory_space<hbm>>, %arg3: memref<2x6400000xi32, #tpu.memory_space<hbm>>, %arg4: memref<6400xf32, #tpu.memory_space<hbm>>, %arg5: memref<10000xf32, #tpu.memory_space<hbm>>, %arg6: memref<100000xf32, #tpu.memory_space<hbm>>, %arg7: memref<100000xf32, #tpu.memory_space<hbm>>, %arg8: memref<100000xf32, #tpu.memory_space<hbm>>, %arg9: memref<100000xf32, #tpu.memory_space<hbm>>, %arg10: memref<2x6400xi32, #tpu.memory_space<vmem>>, %arg11: memref<2x6400xi32, #tpu.memory_space<vmem>>, %arg12: memref<6400xi32, #tpu.memory_space<vmem>>, %arg13: memref<6400xi32, #tpu.memory_space<vmem>>, %arg14: memref<6400xi32, #tpu.memory_space<vmem>>, %arg15: memref<6400xi32, #tpu.memory_space<vmem>>, %arg16: memref<6400xf32, #tpu.memory_space<vmem>>, %arg17: memref<6400xf32, #tpu.memory_space<vmem>>, %arg18: memref<6400xf32, #tpu.memory_space<vmem>>, %arg19: memref<100000xf32, #tpu.memory_space<vmem_shared>>, %arg20: memref<100000xf32, #tpu.memory_space<vmem_shared>>, %arg21: memref<100000xf32, #tpu.memory_space<vmem_shared>>, %arg22: memref<!tpu.dma_semaphore, #tpu.memory_space<semaphore_mem>>, %arg23: memref<!tpu.dma_semaphore, #tpu.memory_space<semaphore_mem>>, %arg24: memref<!tpu.dma_semaphore, #tpu.memory_space<semaphore_mem>>, %arg25: memref<!tpu.dma_semaphore, #tpu.memory_space<semaphore_mem>>, %arg26: memref<!tpu.dma_semaphore, #tpu.memory_space<semaphore_mem>>) attributes {dimension_semantics = [#tpu.dimension_semantics<core_parallel>, #tpu.dimension_semantics<subcore_parallel>], iteration_bounds = array<i64: 2, 16>, scalar_prefetch = 0 : i64, scratch_operands = 17 : i64, tpu.core_type = #tpu.core_type<sc_vector_subcore>, window_params = [{transform_indices = #map}, {transform_indices = #map1}, {transform_indices = #map}, {transform_indices = #map}, {transform_indices = #map}, {transform_indices = #map}, {transform_indices = #map}, {transform_indices = #map}]} {
    %mul3A = arith.constant 16 : i32
    %mul3A_0 = arith.muli %arg0, %mul3A : i32
    %add3A = arith.addi %mul3A_0, %arg1 : i32
    "tpu.region"() ({
      %run_scoped3A = tpu.sem_alloc : memref<!tpu.dma_semaphore, #tpu.memory_space<semaphore_mem>>
      tpu.enqueue_dma source(%arg4 : memref<6400xf32, #tpu.memory_space<hbm>>) target(%arg18 : memref<6400xf32, #tpu.memory_space<vmem>>) target_semaphore(%run_scoped3A : memref<!tpu.dma_semaphore, #tpu.memory_space<semaphore_mem>>)
      tpu.wait_dma2 semaphore(%run_scoped3A : memref<!tpu.dma_semaphore, #tpu.memory_space<semaphore_mem>>) src(%arg4 : memref<6400xf32, #tpu.memory_space<hbm>>) dst(%arg18 : memref<6400xf32, #tpu.memory_space<vmem>>)
      tpu.yield
    }) : () -> ()
    %lt3A = arith.constant 10 : i32
    %lt3A_1 = arith.cmpi slt, %arg1, %lt3A : i32
    %convert_element_type3A = arith.extui %lt3A_1 : i1 to i32
    %cond3A = arith.constant 0 : i32
    %cond3A_2 = arith.cmpi ne, %convert_element_type3A, %cond3A : i32
    scf.if %cond3A_2 {
      %mul3A_33 = arith.constant 10000 : i32
      %mul3A_34 = arith.muli %arg1, %mul3A_33 : i32
      "tpu.region"() ({
        %run_scoped3A = tpu.sem_alloc : memref<!tpu.dma_semaphore, #tpu.memory_space<semaphore_mem>>
        %dma_start3A_35 = arith.constant 0 : i32
        %dma_start3A_36 = tpu.memref_slice %arg16[%dma_start3A_35] : memref<6400xf32, #tpu.memory_space<vmem>> -> memref<10000xf32, #tpu.memory_space<vmem>>
        %dma_start3A_37 = arith.constant 0 : i32
        %dma_start3A_38 = tpu.memref_slice %arg16[%dma_start3A_37] : memref<6400xf32, #tpu.memory_space<vmem>> -> memref<10000xf32, #tpu.memory_space<vmem>>
        tpu.enqueue_dma source(%arg5 : memref<10000xf32, #tpu.memory_space<hbm>>) target(%dma_start3A_38 : memref<10000xf32, #tpu.memory_space<vmem>>) target_semaphore(%run_scoped3A : memref<!tpu.dma_semaphore, #tpu.memory_space<semaphore_mem>>)
        %dma_wait3A = arith.constant 0 : i32
        %dma_wait3A_39 = tpu.memref_slice %arg16[%dma_wait3A] : memref<6400xf32, #tpu.memory_space<vmem>> -> memref<10000xf32, #tpu.memory_space<vmem>>
        %dma_wait3A_40 = arith.constant 0 : i32
        %dma_wait3A_41 = tpu.memref_slice %arg16[%dma_wait3A_40] : memref<6400xf32, #tpu.memory_space<vmem>> -> memref<10000xf32, #tpu.memory_space<vmem>>
        tpu.wait_dma2 semaphore(%run_scoped3A : memref<!tpu.dma_semaphore, #tpu.memory_space<semaphore_mem>>) src(%arg5 : memref<10000xf32, #tpu.memory_space<hbm>>) dst(%dma_wait3A_41 : memref<10000xf32, #tpu.memory_space<vmem>>)
        tpu.yield
      }) : () -> ()
      "tpu.region"() ({
        %run_scoped3A = tpu.sem_alloc : memref<!tpu.dma_semaphore, #tpu.memory_space<semaphore_mem>>
        %dma_start3A_35 = arith.constant 0 : i32
        %dma_start3A_36 = tpu.memref_slice %arg16[%dma_start3A_35] : memref<6400xf32, #tpu.memory_space<vmem>> -> memref<10000xf32, #tpu.memory_space<vmem>>
        %dma_start3A_37 = tpu.memref_slice %arg20[%mul3A_34] : memref<100000xf32, #tpu.memory_space<vmem_shared>> -> memref<10000xf32, #tpu.memory_space<vmem_shared>>
        %dma_start3A_38 = tpu.memref_slice %arg20[%mul3A_34] : memref<100000xf32, #tpu.memory_space<vmem_shared>> -> memref<10000xf32, #tpu.memory_space<vmem_shared>>
        %dma_start3A_39 = arith.constant 0 : i32
        %dma_start3A_40 = tpu.memref_slice %arg16[%dma_start3A_39] : memref<6400xf32, #tpu.memory_space<vmem>> -> memref<10000xf32, #tpu.memory_space<vmem>>
        tpu.enqueue_dma source(%dma_start3A_40 : memref<10000xf32, #tpu.memory_space<vmem>>) target(%dma_start3A_38 : memref<10000xf32, #tpu.memory_space<vmem_shared>>) target_semaphore(%run_scoped3A : memref<!tpu.dma_semaphore, #tpu.memory_space<semaphore_mem>>)
        %dma_wait3A = arith.constant 0 : i32
        %dma_wait3A_41 = tpu.memref_slice %arg16[%dma_wait3A] : memref<6400xf32, #tpu.memory_space<vmem>> -> memref<10000xf32, #tpu.memory_space<vmem>>
        %dma_wait3A_42 = tpu.memref_slice %arg20[%mul3A_34] : memref<100000xf32, #tpu.memory_space<vmem_shared>> -> memref<10000xf32, #tpu.memory_space<vmem_shared>>
        %dma_wait3A_43 = tpu.memref_slice %arg20[%mul3A_34] : memref<100000xf32, #tpu.memory_space<vmem_shared>> -> memref<10000xf32, #tpu.memory_space<vmem_shared>>
        %dma_wait3A_44 = arith.constant 0 : i32
        %dma_wait3A_45 = tpu.memref_slice %arg16[%dma_wait3A_44] : memref<6400xf32, #tpu.memory_space<vmem>> -> memref<10000xf32, #tpu.memory_space<vmem>>
        tpu.wait_dma2 semaphore(%run_scoped3A : memref<!tpu.dma_semaphore, #tpu.memory_space<semaphore_mem>>) src(%dma_wait3A_45 : memref<10000xf32, #tpu.memory_space<vmem>>) dst(%dma_wait3A_43 : memref<10000xf32, #tpu.memory_space<vmem_shared>>)
        tpu.yield
      }) : () -> ()
      "tpu.region"() ({
        %run_scoped3A = tpu.sem_alloc : memref<!tpu.dma_semaphore, #tpu.memory_space<semaphore_mem>>
        %dma_start3A_35 = arith.constant 0 : i32
        %dma_start3A_36 = tpu.memref_slice %arg16[%dma_start3A_35] : memref<6400xf32, #tpu.memory_space<vmem>> -> memref<10000xf32, #tpu.memory_space<vmem>>
        %dma_start3A_37 = tpu.memref_slice %arg21[%mul3A_34] : memref<100000xf32, #tpu.memory_space<vmem_shared>> -> memref<10000xf32, #tpu.memory_space<vmem_shared>>
        %dma_start3A_38 = tpu.memref_slice %arg21[%mul3A_34] : memref<100000xf32, #tpu.memory_space<vmem_shared>> -> memref<10000xf32, #tpu.memory_space<vmem_shared>>
        %dma_start3A_39 = arith.constant 0 : i32
        %dma_start3A_40 = tpu.memref_slice %arg16[%dma_start3A_39] : memref<6400xf32, #tpu.memory_space<vmem>> -> memref<10000xf32, #tpu.memory_space<vmem>>
        tpu.enqueue_dma source(%dma_start3A_40 : memref<10000xf32, #tpu.memory_space<vmem>>) target(%dma_start3A_38 : memref<10000xf32, #tpu.memory_space<vmem_shared>>) target_semaphore(%run_scoped3A : memref<!tpu.dma_semaphore, #tpu.memory_space<semaphore_mem>>)
        %dma_wait3A = arith.constant 0 : i32
        %dma_wait3A_41 = tpu.memref_slice %arg16[%dma_wait3A] : memref<6400xf32, #tpu.memory_space<vmem>> -> memref<10000xf32, #tpu.memory_space<vmem>>
        %dma_wait3A_42 = tpu.memref_slice %arg21[%mul3A_34] : memref<100000xf32, #tpu.memory_space<vmem_shared>> -> memref<10000xf32, #tpu.memory_space<vmem_shared>>
        %dma_wait3A_43 = tpu.memref_slice %arg21[%mul3A_34] : memref<100000xf32, #tpu.memory_space<vmem_shared>> -> memref<10000xf32, #tpu.memory_space<vmem_shared>>
        %dma_wait3A_44 = arith.constant 0 : i32
        %dma_wait3A_45 = tpu.memref_slice %arg16[%dma_wait3A_44] : memref<6400xf32, #tpu.memory_space<vmem>> -> memref<10000xf32, #tpu.memory_space<vmem>>
        tpu.wait_dma2 semaphore(%run_scoped3A : memref<!tpu.dma_semaphore, #tpu.memory_space<semaphore_mem>>) src(%dma_wait3A_45 : memref<10000xf32, #tpu.memory_space<vmem>>) dst(%dma_wait3A_43 : memref<10000xf32, #tpu.memory_space<vmem_shared>>)
        tpu.yield
      }) : () -> ()
      "tpu.region"() ({
        %run_scoped3A = tpu.sem_alloc : memref<!tpu.dma_semaphore, #tpu.memory_space<semaphore_mem>>
        %dma_start3A_35 = arith.constant 0 : i32
        %dma_start3A_36 = tpu.memref_slice %arg16[%dma_start3A_35] : memref<6400xf32, #tpu.memory_space<vmem>> -> memref<10000xf32, #tpu.memory_space<vmem>>
        %dma_start3A_37 = tpu.memref_slice %arg2[%mul3A_34] : memref<100000xf32, #tpu.memory_space<hbm>> -> memref<10000xf32, #tpu.memory_space<hbm>>
        %dma_start3A_38 = arith.constant 0 : i32
        %dma_start3A_39 = tpu.memref_slice %arg16[%dma_start3A_38] : memref<6400xf32, #tpu.memory_space<vmem>> -> memref<10000xf32, #tpu.memory_space<vmem>>
        %dma_start3A_40 = tpu.memref_slice %arg2[%mul3A_34] : memref<100000xf32, #tpu.memory_space<hbm>> -> memref<10000xf32, #tpu.memory_space<hbm>>
        tpu.enqueue_dma source(%dma_start3A_40 : memref<10000xf32, #tpu.memory_space<hbm>>) target(%dma_start3A_39 : memref<10000xf32, #tpu.memory_space<vmem>>) target_semaphore(%run_scoped3A : memref<!tpu.dma_semaphore, #tpu.memory_space<semaphore_mem>>)
        %dma_wait3A = arith.constant 0 : i32
        %dma_wait3A_41 = tpu.memref_slice %arg16[%dma_wait3A] : memref<6400xf32, #tpu.memory_space<vmem>> -> memref<10000xf32, #tpu.memory_space<vmem>>
        %dma_wait3A_42 = tpu.memref_slice %arg2[%mul3A_34] : memref<100000xf32, #tpu.memory_space<hbm>> -> memref<10000xf32, #tpu.memory_space<hbm>>
        %dma_wait3A_43 = arith.constant 0 : i32
        %dma_wait3A_44 = tpu.memref_slice %arg16[%dma_wait3A_43] : memref<6400xf32, #tpu.memory_space<vmem>> -> memref<10000xf32, #tpu.memory_space<vmem>>
        %dma_wait3A_45 = tpu.memref_slice %arg2[%mul3A_34] : memref<100000xf32, #tpu.memory_space<hbm>> -> memref<10000xf32, #tpu.memory_space<hbm>>
        tpu.wait_dma2 semaphore(%run_scoped3A : memref<!tpu.dma_semaphore, #tpu.memory_space<semaphore_mem>>) src(%dma_wait3A_45 : memref<10000xf32, #tpu.memory_space<hbm>>) dst(%dma_wait3A_44 : memref<10000xf32, #tpu.memory_space<vmem>>)
        tpu.yield
      }) : () -> ()
      "tpu.region"() ({
        %run_scoped3A = tpu.sem_alloc : memref<!tpu.dma_semaphore, #tpu.memory_space<semaphore_mem>>
        %dma_start3A_35 = arith.constant 0 : i32
        %dma_start3A_36 = tpu.memref_slice %arg16[%dma_start3A_35] : memref<6400xf32, #tpu.memory_space<vmem>> -> memref<10000xf32, #tpu.memory_space<vmem>>
        %dma_start3A_37 = tpu.memref_slice %arg19[%mul3A_34] : memref<100000xf32, #tpu.memory_space<vmem_shared>> -> memref<10000xf32, #tpu.memory_space<vmem_shared>>
        %dma_start3A_38 = tpu.memref_slice %arg19[%mul3A_34] : memref<100000xf32, #tpu.memory_space<vmem_shared>> -> memref<10000xf32, #tpu.memory_space<vmem_shared>>
        %dma_start3A_39 = arith.constant 0 : i32
        %dma_start3A_40 = tpu.memref_slice %arg16[%dma_start3A_39] : memref<6400xf32, #tpu.memory_space<vmem>> -> memref<10000xf32, #tpu.memory_space<vmem>>
        tpu.enqueue_dma source(%dma_start3A_40 : memref<10000xf32, #tpu.memory_space<vmem>>) target(%dma_start3A_38 : memref<10000xf32, #tpu.memory_space<vmem_shared>>) target_semaphore(%run_scoped3A : memref<!tpu.dma_semaphore, #tpu.memory_space<semaphore_mem>>)
        %dma_wait3A = arith.constant 0 : i32
        %dma_wait3A_41 = tpu.memref_slice %arg16[%dma_wait3A] : memref<6400xf32, #tpu.memory_space<vmem>> -> memref<10000xf32, #tpu.memory_space<vmem>>
        %dma_wait3A_42 = tpu.memref_slice %arg19[%mul3A_34] : memref<100000xf32, #tpu.memory_space<vmem_shared>> -> memref<10000xf32, #tpu.memory_space<vmem_shared>>
        %dma_wait3A_43 = tpu.memref_slice %arg19[%mul3A_34] : memref<100000xf32, #tpu.memory_space<vmem_shared>> -> memref<10000xf32, #tpu.memory_space<vmem_shared>>
        %dma_wait3A_44 = arith.constant 0 : i32
        %dma_wait3A_45 = tpu.memref_slice %arg16[%dma_wait3A_44] : memref<6400xf32, #tpu.memory_space<vmem>> -> memref<10000xf32, #tpu.memory_space<vmem>>
        tpu.wait_dma2 semaphore(%run_scoped3A : memref<!tpu.dma_semaphore, #tpu.memory_space<semaphore_mem>>) src(%dma_wait3A_45 : memref<10000xf32, #tpu.memory_space<vmem>>) dst(%dma_wait3A_43 : memref<10000xf32, #tpu.memory_space<vmem_shared>>)
        tpu.yield
      }) : () -> ()
    } else {
    }
    %barrier3A = arith.constant 0 : index
    tpu.barrier barrier_id(%barrier3A)
    %mul3A_3 = arith.constant 6400 : i32
    %mul3A_4 = arith.muli %add3A, %mul3A_3 : i32
    %dma_start3A = arith.constant 0 : i32
    %dma_start3A_5 = tpu.memref_slice %arg3[%dma_start3A, %mul3A_4] : memref<2x6400000xi32, #tpu.memory_space<hbm>> -> memref<1x6400xi32, #tpu.memory_space<hbm>>
    %dma_start3A_6 = tpu.memref_squeeze %dma_start3A_5 : memref<1x6400xi32, #tpu.memory_space<hbm>> -> memref<6400xi32, #tpu.memory_space<hbm>>
    %dma_start3A_7 = tpu.memref_slice %arg3[%dma_start3A, %mul3A_4] : memref<2x6400000xi32, #tpu.memory_space<hbm>> -> memref<1x6400xi32, #tpu.memory_space<hbm>>
    %dma_start3A_8 = tpu.memref_squeeze %dma_start3A_7 : memref<1x6400xi32, #tpu.memory_space<hbm>> -> memref<6400xi32, #tpu.memory_space<hbm>>
    tpu.enqueue_dma source(%dma_start3A_8 : memref<6400xi32, #tpu.memory_space<hbm>>) target(%arg12 : memref<6400xi32, #tpu.memory_space<vmem>>) target_semaphore(%arg22 : memref<!tpu.dma_semaphore, #tpu.memory_space<semaphore_mem>>)
    %mul3A_9 = arith.constant 6400 : i32
    %mul3A_10 = arith.muli %add3A, %mul3A_9 : i32
    %dma_start3A_11 = arith.constant 0 : i32
    %dma_start3A_12 = tpu.memref_slice %arg3[%dma_start3A_11, %mul3A_10] : memref<2x6400000xi32, #tpu.memory_space<hbm>> -> memref<2x6400xi32, #tpu.memory_space<hbm>>
    %dma_start3A_13 = arith.constant 0 : i32
    %dma_start3A_14 = tpu.memref_slice %arg3[%dma_start3A_13, %mul3A_10] : memref<2x6400000xi32, #tpu.memory_space<hbm>> -> memref<2x6400xi32, #tpu.memory_space<hbm>>
    tpu.enqueue_dma source(%dma_start3A_14 : memref<2x6400xi32, #tpu.memory_space<hbm>>) target(%arg10 : memref<2x6400xi32, #tpu.memory_space<vmem>>) target_semaphore(%arg22 : memref<!tpu.dma_semaphore, #tpu.memory_space<semaphore_mem>>)
    %scan3A = arith.constant 0 : i32
    %scan3A_15 = arith.constant 0 : i32
    %scan3A_16 = arith.constant 16 : i32
    %scan3A_17 = arith.addi %scan3A_15, %scan3A_16 : i32
    %scan3A_18 = arith.constant 1 : i32
    scf.for %scan3A_33 = %scan3A_15 to %scan3A_17 step %scan3A_18  : i32 {
      %mul3A_34 = arith.constant 2 : i32
      %mul3A_35 = arith.muli %mul3A_34, %scan3A_33 : i32
      %mul3A_36 = arith.constant 32 : i32
      %mul3A_37 = arith.muli %mul3A_35, %mul3A_36 : i32
      %add3A_38 = arith.addi %mul3A_37, %add3A : i32
      %lt3A_39 = arith.constant 1000 : i32
      %lt3A_40 = arith.cmpi slt, %add3A_38, %lt3A_39 : i32
      %convert_element_type3A_41 = arith.extui %lt3A_40 : i1 to i32
      %cond3A_42 = arith.constant 0 : i32
      %cond3A_43 = arith.cmpi ne, %convert_element_type3A_41, %cond3A_42 : i32
      scf.if %cond3A_43 {
        %mul3A_87 = arith.constant 6400 : i32
        %mul3A_88 = arith.muli %add3A_38, %mul3A_87 : i32
        %dma_wait3A = arith.constant 0 : i32
        %dma_wait3A_89 = tpu.memref_slice %arg3[%dma_wait3A, %mul3A_88] : memref<2x6400000xi32, #tpu.memory_space<hbm>> -> memref<1x6400xi32, #tpu.memory_space<hbm>>
        %dma_wait3A_90 = tpu.memref_squeeze %dma_wait3A_89 : memref<1x6400xi32, #tpu.memory_space<hbm>> -> memref<6400xi32, #tpu.memory_space<hbm>>
        %dma_wait3A_91 = tpu.memref_slice %arg3[%dma_wait3A, %mul3A_88] : memref<2x6400000xi32, #tpu.memory_space<hbm>> -> memref<1x6400xi32, #tpu.memory_space<hbm>>
        %dma_wait3A_92 = tpu.memref_squeeze %dma_wait3A_91 : memref<1x6400xi32, #tpu.memory_space<hbm>> -> memref<6400xi32, #tpu.memory_space<hbm>>
        tpu.wait_dma2 semaphore(%arg22 : memref<!tpu.dma_semaphore, #tpu.memory_space<semaphore_mem>>) src(%dma_wait3A_92 : memref<6400xi32, #tpu.memory_space<hbm>>) dst(%arg12 : memref<6400xi32, #tpu.memory_space<vmem>>)
        %mul3A_93 = arith.constant 6400 : i32
        %mul3A_94 = arith.muli %add3A_38, %mul3A_93 : i32
        %dma_wait3A_95 = arith.constant 0 : i32
        %dma_wait3A_96 = tpu.memref_slice %arg3[%dma_wait3A_95, %mul3A_94] : memref<2x6400000xi32, #tpu.memory_space<hbm>> -> memref<2x6400xi32, #tpu.memory_space<hbm>>
        %dma_wait3A_97 = arith.constant 0 : i32
        %dma_wait3A_98 = tpu.memref_slice %arg3[%dma_wait3A_97, %mul3A_94] : memref<2x6400000xi32, #tpu.memory_space<hbm>> -> memref<2x6400xi32, #tpu.memory_space<hbm>>
        tpu.wait_dma2 semaphore(%arg22 : memref<!tpu.dma_semaphore, #tpu.memory_space<semaphore_mem>>) src(%dma_wait3A_98 : memref<2x6400xi32, #tpu.memory_space<hbm>>) dst(%arg10 : memref<2x6400xi32, #tpu.memory_space<vmem>>)
        %parallel_loop3A = arith.constant 0 : i32
        %parallel_loop3A_99 = arith.constant 6400 : i32
        %parallel_loop3A_100 = arith.constant 16 : i32
        scf.for %parallel_loop3A_109 = %parallel_loop3A to %parallel_loop3A_99 step %parallel_loop3A_100  : i32 {
          %parallel_loop3A_110 = arith.constant 1 : i32
          %parallel_loop3A_111 = arith.index_cast %parallel_loop3A_110 : i32 to index
          %parallel_loop3A_112 = arith.index_cast %parallel_loop3A_109 : i32 to index
          %parallel_loop3A_113 = tpu.vector_load %arg10[%parallel_loop3A_111, %parallel_loop3A_112] {strides = array<i32>} : memref<2x6400xi32, #tpu.memory_space<vmem>>, vector<1x16xi32>,
          %parallel_loop3A_114 = vector.shape_cast %parallel_loop3A_113 : vector<1x16xi32> to vector<16xi32>
          %parallel_loop3A_115 = arith.index_cast %parallel_loop3A_109 : i32 to index
          %parallel_loop3A_116 = tpu.vector_load %arg14[%parallel_loop3A_115] {strides = array<i32>} : memref<6400xi32, #tpu.memory_space<vmem>>, vector<16xi32>,
          %parallel_loop3A_117 = vector.shape_cast %parallel_loop3A_116 : vector<16xi32> to vector<16xi32>
          %parallel_loop3A_118 = vector.shape_cast %parallel_loop3A_114 : vector<16xi32> to vector<16xi32>
          tpu.vector_store %arg14[%parallel_loop3A_115], %parallel_loop3A_118 {strides = array<i32>} : memref<6400xi32, #tpu.memory_space<vmem>>, vector<16xi32>,
        } {sc.loop_unroll_factor = 8 : i64, sc.parallel_access}
        %dma_start3A_101 = arith.constant 0 : i32
        %dma_start3A_102 = tpu.memref_slice %arg21[%dma_start3A_101] : memref<100000xf32, #tpu.memory_space<vmem_shared>> -> memref<100000xf32, #tpu.memory_space<vmem_shared>>
        tpu.enqueue_indirect_dma source(%arg18 : memref<6400xf32, #tpu.memory_space<vmem>>) target(%dma_start3A_102 : memref<100000xf32, #tpu.memory_space<vmem_shared>>) offsets(%arg14 : memref<6400xi32, #tpu.memory_space<vmem>>) semaphore(%arg24 : memref<!tpu.dma_semaphore, #tpu.memory_space<semaphore_mem>>) {add = true}
        %dma_start3A_103 = arith.constant 0 : i32
        %dma_start3A_104 = tpu.memref_slice %arg19[%dma_start3A_103] : memref<100000xf32, #tpu.memory_space<vmem_shared>> -> memref<100000xf32, #tpu.memory_space<vmem_shared>>
        tpu.enqueue_indirect_dma source(%dma_start3A_104 : memref<100000xf32, #tpu.memory_space<vmem_shared>>) target(%arg16 : memref<6400xf32, #tpu.memory_space<vmem>>) offsets(%arg12 : memref<6400xi32, #tpu.memory_space<vmem>>) semaphore(%arg26 : memref<!tpu.dma_semaphore, #tpu.memory_space<semaphore_mem>>)
        %dma_wait3A_105 = arith.constant 0 : i32
        %dma_wait3A_106 = tpu.memref_slice %arg19[%dma_wait3A_105] : memref<100000xf32, #tpu.memory_space<vmem_shared>> -> memref<100000xf32, #tpu.memory_space<vmem_shared>>
        tpu.wait_indirect_dma semaphore(%arg26 : memref<!tpu.dma_semaphore, #tpu.memory_space<semaphore_mem>>) src(%dma_wait3A_106 : memref<100000xf32, #tpu.memory_space<vmem_shared>>) dst(%arg16 : memref<6400xf32, #tpu.memory_space<vmem>>)
        %dma_start3A_107 = arith.constant 0 : i32
        %dma_start3A_108 = tpu.memref_slice %arg20[%dma_start3A_107] : memref<100000xf32, #tpu.memory_space<vmem_shared>> -> memref<100000xf32, #tpu.memory_space<vmem_shared>>
        tpu.enqueue_indirect_dma source(%arg16 : memref<6400xf32, #tpu.memory_space<vmem>>) target(%dma_start3A_108 : memref<100000xf32, #tpu.memory_space<vmem_shared>>) offsets(%arg14 : memref<6400xi32, #tpu.memory_space<vmem>>) semaphore(%arg24 : memref<!tpu.dma_semaphore, #tpu.memory_space<semaphore_mem>>) {add = true}
      } else {
      }
      %ge3A = arith.constant 1 : i32
      %ge3A_44 = arith.cmpi sge, %mul3A_35, %ge3A : i32
      %sub3A = arith.constant 32 : i32
      %sub3A_45 = arith.subi %add3A_38, %sub3A : i32
      %lt3A_46 = arith.constant 1000 : i32
      %lt3A_47 = arith.cmpi slt, %sub3A_45, %lt3A_46 : i32
      %and3A = arith.andi %ge3A_44, %lt3A_47 : i1
      %convert_element_type3A_48 = arith.extui %and3A : i1 to i32
      %cond3A_49 = arith.constant 0 : i32
      %cond3A_50 = arith.cmpi ne, %convert_element_type3A_48, %cond3A_49 : i32
      scf.if %cond3A_50 {
        %dma_wait3A = arith.constant 0 : i32
        %dma_wait3A_87 = tpu.memref_slice %arg20[%dma_wait3A] : memref<100000xf32, #tpu.memory_space<vmem_shared>> -> memref<100000xf32, #tpu.memory_space<vmem_shared>>
        tpu.wait_indirect_dma semaphore(%arg25 : memref<!tpu.dma_semaphore, #tpu.memory_space<semaphore_mem>>) src(%arg17 : memref<6400xf32, #tpu.memory_space<vmem>>) dst(%dma_wait3A_87 : memref<100000xf32, #tpu.memory_space<vmem_shared>>)
        %dma_wait3A_88 = arith.constant 0 : i32
        %dma_wait3A_89 = tpu.memref_slice %arg21[%dma_wait3A_88] : memref<100000xf32, #tpu.memory_space<vmem_shared>> -> memref<100000xf32, #tpu.memory_space<vmem_shared>>
        tpu.wait_indirect_dma semaphore(%arg25 : memref<!tpu.dma_semaphore, #tpu.memory_space<semaphore_mem>>) src(%arg18 : memref<6400xf32, #tpu.memory_space<vmem>>) dst(%dma_wait3A_89 : memref<100000xf32, #tpu.memory_space<vmem_shared>>)
      } else {
      }
      %add3A_51 = arith.constant 32 : i32
      %add3A_52 = arith.addi %add3A_38, %add3A_51 : i32
      %lt3A_53 = arith.constant 1000 : i32
      %lt3A_54 = arith.cmpi slt, %add3A_52, %lt3A_53 : i32
      %convert_element_type3A_55 = arith.extui %lt3A_54 : i1 to i32
      %cond3A_56 = arith.constant 0 : i32
      %cond3A_57 = arith.cmpi ne, %convert_element_type3A_55, %cond3A_56 : i32
      scf.if %cond3A_57 {
        %add3A_87 = arith.constant 32 : i32
        %add3A_88 = arith.addi %add3A_38, %add3A_87 : i32
        %mul3A_89 = arith.constant 6400 : i32
        %mul3A_90 = arith.muli %add3A_88, %mul3A_89 : i32
        %dma_start3A_91 = arith.constant 0 : i32
        %dma_start3A_92 = tpu.memref_slice %arg3[%dma_start3A_91, %mul3A_90] : memref<2x6400000xi32, #tpu.memory_space<hbm>> -> memref<1x6400xi32, #tpu.memory_space<hbm>>
        %dma_start3A_93 = tpu.memref_squeeze %dma_start3A_92 : memref<1x6400xi32, #tpu.memory_space<hbm>> -> memref<6400xi32, #tpu.memory_space<hbm>>
        %dma_start3A_94 = tpu.memref_slice %arg3[%dma_start3A_91, %mul3A_90] : memref<2x6400000xi32, #tpu.memory_space<hbm>> -> memref<1x6400xi32, #tpu.memory_space<hbm>>
        %dma_start3A_95 = tpu.memref_squeeze %dma_start3A_94 : memref<1x6400xi32, #tpu.memory_space<hbm>> -> memref<6400xi32, #tpu.memory_space<hbm>>
        tpu.enqueue_dma source(%dma_start3A_95 : memref<6400xi32, #tpu.memory_space<hbm>>) target(%arg13 : memref<6400xi32, #tpu.memory_space<vmem>>) target_semaphore(%arg23 : memref<!tpu.dma_semaphore, #tpu.memory_space<semaphore_mem>>)
        %mul3A_96 = arith.constant 6400 : i32
        %mul3A_97 = arith.muli %add3A_88, %mul3A_96 : i32
        %dma_start3A_98 = arith.constant 0 : i32
        %dma_start3A_99 = tpu.memref_slice %arg3[%dma_start3A_98, %mul3A_97] : memref<2x6400000xi32, #tpu.memory_space<hbm>> -> memref<2x6400xi32, #tpu.memory_space<hbm>>
        %dma_start3A_100 = arith.constant 0 : i32
        %dma_start3A_101 = tpu.memref_slice %arg3[%dma_start3A_100, %mul3A_97] : memref<2x6400000xi32, #tpu.memory_space<hbm>> -> memref<2x6400xi32, #tpu.memory_space<hbm>>
        tpu.enqueue_dma source(%dma_start3A_101 : memref<2x6400xi32, #tpu.memory_space<hbm>>) target(%arg11 : memref<2x6400xi32, #tpu.memory_space<vmem>>) target_semaphore(%arg23 : memref<!tpu.dma_semaphore, #tpu.memory_space<semaphore_mem>>)
      } else {
      }
      %mul3A_58 = arith.constant 2 : i32
      %mul3A_59 = arith.muli %mul3A_58, %scan3A_33 : i32
      %add3A_60 = arith.constant 1 : i32
      %add3A_61 = arith.addi %mul3A_59, %add3A_60 : i32
      %mul3A_62 = arith.constant 32 : i32
      %mul3A_63 = arith.muli %add3A_61, %mul3A_62 : i32
      %add3A_64 = arith.addi %mul3A_63, %add3A : i32
      %lt3A_65 = arith.constant 1000 : i32
      %lt3A_66 = arith.cmpi slt, %add3A_64, %lt3A_65 : i32
      %convert_element_type3A_67 = arith.extui %lt3A_66 : i1 to i32
      %cond3A_68 = arith.constant 0 : i32
      %cond3A_69 = arith.cmpi ne, %convert_element_type3A_67, %cond3A_68 : i32
      scf.if %cond3A_69 {
        %mul3A_87 = arith.constant 6400 : i32
        %mul3A_88 = arith.muli %add3A_64, %mul3A_87 : i32
        %dma_wait3A = arith.constant 0 : i32
        %dma_wait3A_89 = tpu.memref_slice %arg3[%dma_wait3A, %mul3A_88] : memref<2x6400000xi32, #tpu.memory_space<hbm>> -> memref<1x6400xi32, #tpu.memory_space<hbm>>
        %dma_wait3A_90 = tpu.memref_squeeze %dma_wait3A_89 : memref<1x6400xi32, #tpu.memory_space<hbm>> -> memref<6400xi32, #tpu.memory_space<hbm>>
        %dma_wait3A_91 = tpu.memref_slice %arg3[%dma_wait3A, %mul3A_88] : memref<2x6400000xi32, #tpu.memory_space<hbm>> -> memref<1x6400xi32, #tpu.memory_space<hbm>>
        %dma_wait3A_92 = tpu.memref_squeeze %dma_wait3A_91 : memref<1x6400xi32, #tpu.memory_space<hbm>> -> memref<6400xi32, #tpu.memory_space<hbm>>
        tpu.wait_dma2 semaphore(%arg23 : memref<!tpu.dma_semaphore, #tpu.memory_space<semaphore_mem>>) src(%dma_wait3A_92 : memref<6400xi32, #tpu.memory_space<hbm>>) dst(%arg13 : memref<6400xi32, #tpu.memory_space<vmem>>)
        %mul3A_93 = arith.constant 6400 : i32
        %mul3A_94 = arith.muli %add3A_64, %mul3A_93 : i32
        %dma_wait3A_95 = arith.constant 0 : i32
        %dma_wait3A_96 = tpu.memref_slice %arg3[%dma_wait3A_95, %mul3A_94] : memref<2x6400000xi32, #tpu.memory_space<hbm>> -> memref<2x6400xi32, #tpu.memory_space<hbm>>
        %dma_wait3A_97 = arith.constant 0 : i32
        %dma_wait3A_98 = tpu.memref_slice %arg3[%dma_wait3A_97, %mul3A_94] : memref<2x6400000xi32, #tpu.memory_space<hbm>> -> memref<2x6400xi32, #tpu.memory_space<hbm>>
        tpu.wait_dma2 semaphore(%arg23 : memref<!tpu.dma_semaphore, #tpu.memory_space<semaphore_mem>>) src(%dma_wait3A_98 : memref<2x6400xi32, #tpu.memory_space<hbm>>) dst(%arg11 : memref<2x6400xi32, #tpu.memory_space<vmem>>)
        %parallel_loop3A = arith.constant 0 : i32
        %parallel_loop3A_99 = arith.constant 6400 : i32
        %parallel_loop3A_100 = arith.constant 16 : i32
        scf.for %parallel_loop3A_109 = %parallel_loop3A to %parallel_loop3A_99 step %parallel_loop3A_100  : i32 {
          %parallel_loop3A_110 = arith.constant 1 : i32
          %parallel_loop3A_111 = arith.index_cast %parallel_loop3A_110 : i32 to index
          %parallel_loop3A_112 = arith.index_cast %parallel_loop3A_109 : i32 to index
          %parallel_loop3A_113 = tpu.vector_load %arg11[%parallel_loop3A_111, %parallel_loop3A_112] {strides = array<i32>} : memref<2x6400xi32, #tpu.memory_space<vmem>>, vector<1x16xi32>,
          %parallel_loop3A_114 = vector.shape_cast %parallel_loop3A_113 : vector<1x16xi32> to vector<16xi32>
          %parallel_loop3A_115 = arith.index_cast %parallel_loop3A_109 : i32 to index
          %parallel_loop3A_116 = tpu.vector_load %arg15[%parallel_loop3A_115] {strides = array<i32>} : memref<6400xi32, #tpu.memory_space<vmem>>, vector<16xi32>,
          %parallel_loop3A_117 = vector.shape_cast %parallel_loop3A_116 : vector<16xi32> to vector<16xi32>
          %parallel_loop3A_118 = vector.shape_cast %parallel_loop3A_114 : vector<16xi32> to vector<16xi32>
          tpu.vector_store %arg15[%parallel_loop3A_115], %parallel_loop3A_118 {strides = array<i32>} : memref<6400xi32, #tpu.memory_space<vmem>>, vector<16xi32>,
        } {sc.loop_unroll_factor = 8 : i64, sc.parallel_access}
        %dma_start3A_101 = arith.constant 0 : i32
        %dma_start3A_102 = tpu.memref_slice %arg21[%dma_start3A_101] : memref<100000xf32, #tpu.memory_space<vmem_shared>> -> memref<100000xf32, #tpu.memory_space<vmem_shared>>
        tpu.enqueue_indirect_dma source(%arg18 : memref<6400xf32, #tpu.memory_space<vmem>>) target(%dma_start3A_102 : memref<100000xf32, #tpu.memory_space<vmem_shared>>) offsets(%arg15 : memref<6400xi32, #tpu.memory_space<vmem>>) semaphore(%arg25 : memref<!tpu.dma_semaphore, #tpu.memory_space<semaphore_mem>>) {add = true}
        %dma_start3A_103 = arith.constant 0 : i32
        %dma_start3A_104 = tpu.memref_slice %arg19[%dma_start3A_103] : memref<100000xf32, #tpu.memory_space<vmem_shared>> -> memref<100000xf32, #tpu.memory_space<vmem_shared>>
        tpu.enqueue_indirect_dma source(%dma_start3A_104 : memref<100000xf32, #tpu.memory_space<vmem_shared>>) target(%arg17 : memref<6400xf32, #tpu.memory_space<vmem>>) offsets(%arg13 : memref<6400xi32, #tpu.memory_space<vmem>>) semaphore(%arg26 : memref<!tpu.dma_semaphore, #tpu.memory_space<semaphore_mem>>)
        %dma_wait3A_105 = arith.constant 0 : i32
        %dma_wait3A_106 = tpu.memref_slice %arg19[%dma_wait3A_105] : memref<100000xf32, #tpu.memory_space<vmem_shared>> -> memref<100000xf32, #tpu.memory_space<vmem_shared>>
        tpu.wait_indirect_dma semaphore(%arg26 : memref<!tpu.dma_semaphore, #tpu.memory_space<semaphore_mem>>) src(%dma_wait3A_106 : memref<100000xf32, #tpu.memory_space<vmem_shared>>) dst(%arg17 : memref<6400xf32, #tpu.memory_space<vmem>>)
        %dma_start3A_107 = arith.constant 0 : i32
        %dma_start3A_108 = tpu.memref_slice %arg20[%dma_start3A_107] : memref<100000xf32, #tpu.memory_space<vmem_shared>> -> memref<100000xf32, #tpu.memory_space<vmem_shared>>
        tpu.enqueue_indirect_dma source(%arg17 : memref<6400xf32, #tpu.memory_space<vmem>>) target(%dma_start3A_108 : memref<100000xf32, #tpu.memory_space<vmem_shared>>) offsets(%arg15 : memref<6400xi32, #tpu.memory_space<vmem>>) semaphore(%arg25 : memref<!tpu.dma_semaphore, #tpu.memory_space<semaphore_mem>>) {add = true}
      } else {
      }
      %ge3A_70 = arith.constant 1 : i32
      %ge3A_71 = arith.cmpi sge, %add3A_61, %ge3A_70 : i32
      %sub3A_72 = arith.constant 32 : i32
      %sub3A_73 = arith.subi %add3A_64, %sub3A_72 : i32
      %lt3A_74 = arith.constant 1000 : i32
      %lt3A_75 = arith.cmpi slt, %sub3A_73, %lt3A_74 : i32
      %and3A_76 = arith.andi %ge3A_71, %lt3A_75 : i1
      %convert_element_type3A_77 = arith.extui %and3A_76 : i1 to i32
      %cond3A_78 = arith.constant 0 : i32
      %cond3A_79 = arith.cmpi ne, %convert_element_type3A_77, %cond3A_78 : i32
      scf.if %cond3A_79 {
        %dma_wait3A = arith.constant 0 : i32
        %dma_wait3A_87 = tpu.memref_slice %arg20[%dma_wait3A] : memref<100000xf32, #tpu.memory_space<vmem_shared>> -> memref<100000xf32, #tpu.memory_space<vmem_shared>>
        tpu.wait_indirect_dma semaphore(%arg24 : memref<!tpu.dma_semaphore, #tpu.memory_space<semaphore_mem>>) src(%arg16 : memref<6400xf32, #tpu.memory_space<vmem>>) dst(%dma_wait3A_87 : memref<100000xf32, #tpu.memory_space<vmem_shared>>)
        %dma_wait3A_88 = arith.constant 0 : i32
        %dma_wait3A_89 = tpu.memref_slice %arg21[%dma_wait3A_88] : memref<100000xf32, #tpu.memory_space<vmem_shared>> -> memref<100000xf32, #tpu.memory_space<vmem_shared>>
        tpu.wait_indirect_dma semaphore(%arg24 : memref<!tpu.dma_semaphore, #tpu.memory_space<semaphore_mem>>) src(%arg18 : memref<6400xf32, #tpu.memory_space<vmem>>) dst(%dma_wait3A_89 : memref<100000xf32, #tpu.memory_space<vmem_shared>>)
      } else {
      }
      %add3A_80 = arith.constant 32 : i32
      %add3A_81 = arith.addi %add3A_64, %add3A_80 : i32
      %lt3A_82 = arith.constant 1000 : i32
      %lt3A_83 = arith.cmpi slt, %add3A_81, %lt3A_82 : i32
      %convert_element_type3A_84 = arith.extui %lt3A_83 : i1 to i32
      %cond3A_85 = arith.constant 0 : i32
      %cond3A_86 = arith.cmpi ne, %convert_element_type3A_84, %cond3A_85 : i32
      scf.if %cond3A_86 {
        %add3A_87 = arith.constant 32 : i32
        %add3A_88 = arith.addi %add3A_64, %add3A_87 : i32
        %mul3A_89 = arith.constant 6400 : i32
        %mul3A_90 = arith.muli %add3A_88, %mul3A_89 : i32
        %dma_start3A_91 = arith.constant 0 : i32
        %dma_start3A_92 = tpu.memref_slice %arg3[%dma_start3A_91, %mul3A_90] : memref<2x6400000xi32, #tpu.memory_space<hbm>> -> memref<1x6400xi32, #tpu.memory_space<hbm>>
        %dma_start3A_93 = tpu.memref_squeeze %dma_start3A_92 : memref<1x6400xi32, #tpu.memory_space<hbm>> -> memref<6400xi32, #tpu.memory_space<hbm>>
        %dma_start3A_94 = tpu.memref_slice %arg3[%dma_start3A_91, %mul3A_90] : memref<2x6400000xi32, #tpu.memory_space<hbm>> -> memref<1x6400xi32, #tpu.memory_space<hbm>>
        %dma_start3A_95 = tpu.memref_squeeze %dma_start3A_94 : memref<1x6400xi32, #tpu.memory_space<hbm>> -> memref<6400xi32, #tpu.memory_space<hbm>>
        tpu.enqueue_dma source(%dma_start3A_95 : memref<6400xi32, #tpu.memory_space<hbm>>) target(%arg12 : memref<6400xi32, #tpu.memory_space<vmem>>) target_semaphore(%arg22 : memref<!tpu.dma_semaphore, #tpu.memory_space<semaphore_mem>>)
        %mul3A_96 = arith.constant 6400 : i32
        %mul3A_97 = arith.muli %add3A_88, %mul3A_96 : i32
        %dma_start3A_98 = arith.constant 0 : i32
        %dma_start3A_99 = tpu.memref_slice %arg3[%dma_start3A_98, %mul3A_97] : memref<2x6400000xi32, #tpu.memory_space<hbm>> -> memref<2x6400xi32, #tpu.memory_space<hbm>>
        %dma_start3A_100 = arith.constant 0 : i32
        %dma_start3A_101 = tpu.memref_slice %arg3[%dma_start3A_100, %mul3A_97] : memref<2x6400000xi32, #tpu.memory_space<hbm>> -> memref<2x6400xi32, #tpu.memory_space<hbm>>
        tpu.enqueue_dma source(%dma_start3A_101 : memref<2x6400xi32, #tpu.memory_space<hbm>>) target(%arg10 : memref<2x6400xi32, #tpu.memory_space<vmem>>) target_semaphore(%arg22 : memref<!tpu.dma_semaphore, #tpu.memory_space<semaphore_mem>>)
      } else {
      }
    }
    %scan3A_19 = arith.constant 16 : i32
    %add3A_20 = arith.constant 992 : i32
    %add3A_21 = arith.addi %add3A_20, %add3A : i32
    %lt3A_22 = arith.constant 1000 : i32
    %lt3A_23 = arith.cmpi slt, %add3A_21, %lt3A_22 : i32
    %convert_element_type3A_24 = arith.extui %lt3A_23 : i1 to i32
    %cond3A_25 = arith.constant 0 : i32
    %cond3A_26 = arith.cmpi ne, %convert_element_type3A_24, %cond3A_25 : i32
    scf.if %cond3A_26 {
      %dma_wait3A = arith.constant 0 : i32
      %dma_wait3A_33 = tpu.memref_slice %arg20[%dma_wait3A] : memref<100000xf32, #tpu.memory_space<vmem_shared>> -> memref<100000xf32, #tpu.memory_space<vmem_shared>>
      tpu.wait_indirect_dma semaphore(%arg25 : memref<!tpu.dma_semaphore, #tpu.memory_space<semaphore_mem>>) src(%arg17 : memref<6400xf32, #tpu.memory_space<vmem>>) dst(%dma_wait3A_33 : memref<100000xf32, #tpu.memory_space<vmem_shared>>)
      %dma_wait3A_34 = arith.constant 0 : i32
      %dma_wait3A_35 = tpu.memref_slice %arg21[%dma_wait3A_34] : memref<100000xf32, #tpu.memory_space<vmem_shared>> -> memref<100000xf32, #tpu.memory_space<vmem_shared>>
      tpu.wait_indirect_dma semaphore(%arg25 : memref<!tpu.dma_semaphore, #tpu.memory_space<semaphore_mem>>) src(%arg18 : memref<6400xf32, #tpu.memory_space<vmem>>) dst(%dma_wait3A_35 : memref<100000xf32, #tpu.memory_space<vmem_shared>>)
    } else {
    }
    %barrier3A_27 = arith.constant 0 : index
    tpu.barrier barrier_id(%barrier3A_27)
    %lt3A_28 = arith.constant 10 : i32
    %lt3A_29 = arith.cmpi slt, %arg1, %lt3A_28 : i32
    %convert_element_type3A_30 = arith.extui %lt3A_29 : i1 to i32
    %cond3A_31 = arith.constant 0 : i32
    %cond3A_32 = arith.cmpi ne, %convert_element_type3A_30, %cond3A_31 : i32
    scf.if %cond3A_32 {
      %mul3A_33 = arith.constant 10000 : i32
      %mul3A_34 = arith.muli %arg1, %mul3A_33 : i32
      "tpu.region"() ({
        %run_scoped3A = tpu.sem_alloc : memref<!tpu.dma_semaphore, #tpu.memory_space<semaphore_mem>>
        %dma_start3A_54 = arith.constant 0 : i32
        %dma_start3A_55 = tpu.memref_slice %arg16[%dma_start3A_54] : memref<6400xf32, #tpu.memory_space<vmem>> -> memref<10000xf32, #tpu.memory_space<vmem>>
        %dma_start3A_56 = tpu.memref_slice %arg20[%mul3A_34] : memref<100000xf32, #tpu.memory_space<vmem_shared>> -> memref<10000xf32, #tpu.memory_space<vmem_shared>>
        %dma_start3A_57 = arith.constant 0 : i32
        %dma_start3A_58 = tpu.memref_slice %arg16[%dma_start3A_57] : memref<6400xf32, #tpu.memory_space<vmem>> -> memref<10000xf32, #tpu.memory_space<vmem>>
        %dma_start3A_59 = tpu.memref_slice %arg20[%mul3A_34] : memref<100000xf32, #tpu.memory_space<vmem_shared>> -> memref<10000xf32, #tpu.memory_space<vmem_shared>>
        tpu.enqueue_dma source(%dma_start3A_59 : memref<10000xf32, #tpu.memory_space<vmem_shared>>) target(%dma_start3A_58 : memref<10000xf32, #tpu.memory_space<vmem>>) target_semaphore(%run_scoped3A : memref<!tpu.dma_semaphore, #tpu.memory_space<semaphore_mem>>)
        %dma_wait3A = arith.constant 0 : i32
        %dma_wait3A_60 = tpu.memref_slice %arg16[%dma_wait3A] : memref<6400xf32, #tpu.memory_space<vmem>> -> memref<10000xf32, #tpu.memory_space<vmem>>
        %dma_wait3A_61 = tpu.memref_slice %arg20[%mul3A_34] : memref<100000xf32, #tpu.memory_space<vmem_shared>> -> memref<10000xf32, #tpu.memory_space<vmem_shared>>
        %dma_wait3A_62 = arith.constant 0 : i32
        %dma_wait3A_63 = tpu.memref_slice %arg16[%dma_wait3A_62] : memref<6400xf32, #tpu.memory_space<vmem>> -> memref<10000xf32, #tpu.memory_space<vmem>>
        %dma_wait3A_64 = tpu.memref_slice %arg20[%mul3A_34] : memref<100000xf32, #tpu.memory_space<vmem_shared>> -> memref<10000xf32, #tpu.memory_space<vmem_shared>>
        tpu.wait_dma2 semaphore(%run_scoped3A : memref<!tpu.dma_semaphore, #tpu.memory_space<semaphore_mem>>) src(%dma_wait3A_64 : memref<10000xf32, #tpu.memory_space<vmem_shared>>) dst(%dma_wait3A_63 : memref<10000xf32, #tpu.memory_space<vmem>>)
        tpu.yield
      }) : () -> ()
      %eq3A = arith.constant 0 : i32
      %eq3A_35 = arith.cmpi eq, %arg0, %eq3A : i32
      %convert_element_type3A_36 = arith.extui %eq3A_35 : i1 to i32
      %cond3A_37 = arith.constant 0 : i32
      %cond3A_38 = arith.cmpi ne, %convert_element_type3A_36, %cond3A_37 : i32
      scf.if %cond3A_38 {
        "tpu.region"() ({
          %run_scoped3A = tpu.sem_alloc : memref<!tpu.dma_semaphore, #tpu.memory_space<semaphore_mem>>
          %dma_start3A_54 = arith.constant 0 : i32
          %dma_start3A_55 = tpu.memref_slice %arg16[%dma_start3A_54] : memref<6400xf32, #tpu.memory_space<vmem>> -> memref<10000xf32, #tpu.memory_space<vmem>>
          %dma_start3A_56 = tpu.memref_slice %arg6[%mul3A_34] : memref<100000xf32, #tpu.memory_space<hbm>> -> memref<10000xf32, #tpu.memory_space<hbm>>
          %dma_start3A_57 = tpu.memref_slice %arg6[%mul3A_34] : memref<100000xf32, #tpu.memory_space<hbm>> -> memref<10000xf32, #tpu.memory_space<hbm>>
          %dma_start3A_58 = arith.constant 0 : i32
          %dma_start3A_59 = tpu.memref_slice %arg16[%dma_start3A_58] : memref<6400xf32, #tpu.memory_space<vmem>> -> memref<10000xf32, #tpu.memory_space<vmem>>
          tpu.enqueue_dma source(%dma_start3A_59 : memref<10000xf32, #tpu.memory_space<vmem>>) target(%dma_start3A_57 : memref<10000xf32, #tpu.memory_space<hbm>>) target_semaphore(%run_scoped3A : memref<!tpu.dma_semaphore, #tpu.memory_space<semaphore_mem>>)
          %dma_wait3A = arith.constant 0 : i32
          %dma_wait3A_60 = tpu.memref_slice %arg16[%dma_wait3A] : memref<6400xf32, #tpu.memory_space<vmem>> -> memref<10000xf32, #tpu.memory_space<vmem>>
          %dma_wait3A_61 = tpu.memref_slice %arg6[%mul3A_34] : memref<100000xf32, #tpu.memory_space<hbm>> -> memref<10000xf32, #tpu.memory_space<hbm>>
          %dma_wait3A_62 = tpu.memref_slice %arg6[%mul3A_34] : memref<100000xf32, #tpu.memory_space<hbm>> -> memref<10000xf32, #tpu.memory_space<hbm>>
          %dma_wait3A_63 = arith.constant 0 : i32
          %dma_wait3A_64 = tpu.memref_slice %arg16[%dma_wait3A_63] : memref<6400xf32, #tpu.memory_space<vmem>> -> memref<10000xf32, #tpu.memory_space<vmem>>
          tpu.wait_dma2 semaphore(%run_scoped3A : memref<!tpu.dma_semaphore, #tpu.memory_space<semaphore_mem>>) src(%dma_wait3A_64 : memref<10000xf32, #tpu.memory_space<vmem>>) dst(%dma_wait3A_62 : memref<10000xf32, #tpu.memory_space<hbm>>)
          tpu.yield
        }) : () -> ()
      } else {
      }
      %eq3A_39 = arith.constant 1 : i32
      %eq3A_40 = arith.cmpi eq, %arg0, %eq3A_39 : i32
      %convert_element_type3A_41 = arith.extui %eq3A_40 : i1 to i32
      %cond3A_42 = arith.constant 0 : i32
      %cond3A_43 = arith.cmpi ne, %convert_element_type3A_41, %cond3A_42 : i32
      scf.if %cond3A_43 {
        "tpu.region"() ({
          %run_scoped3A = tpu.sem_alloc : memref<!tpu.dma_semaphore, #tpu.memory_space<semaphore_mem>>
          %dma_start3A_54 = arith.constant 0 : i32
          %dma_start3A_55 = tpu.memref_slice %arg16[%dma_start3A_54] : memref<6400xf32, #tpu.memory_space<vmem>> -> memref<10000xf32, #tpu.memory_space<vmem>>
          %dma_start3A_56 = tpu.memref_slice %arg7[%mul3A_34] : memref<100000xf32, #tpu.memory_space<hbm>> -> memref<10000xf32, #tpu.memory_space<hbm>>
          %dma_start3A_57 = tpu.memref_slice %arg7[%mul3A_34] : memref<100000xf32, #tpu.memory_space<hbm>> -> memref<10000xf32, #tpu.memory_space<hbm>>
          %dma_start3A_58 = arith.constant 0 : i32
          %dma_start3A_59 = tpu.memref_slice %arg16[%dma_start3A_58] : memref<6400xf32, #tpu.memory_space<vmem>> -> memref<10000xf32, #tpu.memory_space<vmem>>
          tpu.enqueue_dma source(%dma_start3A_59 : memref<10000xf32, #tpu.memory_space<vmem>>) target(%dma_start3A_57 : memref<10000xf32, #tpu.memory_space<hbm>>) target_semaphore(%run_scoped3A : memref<!tpu.dma_semaphore, #tpu.memory_space<semaphore_mem>>)
          %dma_wait3A = arith.constant 0 : i32
          %dma_wait3A_60 = tpu.memref_slice %arg16[%dma_wait3A] : memref<6400xf32, #tpu.memory_space<vmem>> -> memref<10000xf32, #tpu.memory_space<vmem>>
          %dma_wait3A_61 = tpu.memref_slice %arg7[%mul3A_34] : memref<100000xf32, #tpu.memory_space<hbm>> -> memref<10000xf32, #tpu.memory_space<hbm>>
          %dma_wait3A_62 = tpu.memref_slice %arg7[%mul3A_34] : memref<100000xf32, #tpu.memory_space<hbm>> -> memref<10000xf32, #tpu.memory_space<hbm>>
          %dma_wait3A_63 = arith.constant 0 : i32
          %dma_wait3A_64 = tpu.memref_slice %arg16[%dma_wait3A_63] : memref<6400xf32, #tpu.memory_space<vmem>> -> memref<10000xf32, #tpu.memory_space<vmem>>
          tpu.wait_dma2 semaphore(%run_scoped3A : memref<!tpu.dma_semaphore, #tpu.memory_space<semaphore_mem>>) src(%dma_wait3A_64 : memref<10000xf32, #tpu.memory_space<vmem>>) dst(%dma_wait3A_62 : memref<10000xf32, #tpu.memory_space<hbm>>)
          tpu.yield
        }) : () -> ()
      } else {
      }
      "tpu.region"() ({
        %run_scoped3A = tpu.sem_alloc : memref<!tpu.dma_semaphore, #tpu.memory_space<semaphore_mem>>
        %dma_start3A_54 = arith.constant 0 : i32
        %dma_start3A_55 = tpu.memref_slice %arg16[%dma_start3A_54] : memref<6400xf32, #tpu.memory_space<vmem>> -> memref<10000xf32, #tpu.memory_space<vmem>>
        %dma_start3A_56 = tpu.memref_slice %arg21[%mul3A_34] : memref<100000xf32, #tpu.memory_space<vmem_shared>> -> memref<10000xf32, #tpu.memory_space<vmem_shared>>
        %dma_start3A_57 = arith.constant 0 : i32
        %dma_start3A_58 = tpu.memref_slice %arg16[%dma_start3A_57] : memref<6400xf32, #tpu.memory_space<vmem>> -> memref<10000xf32, #tpu.memory_space<vmem>>
        %dma_start3A_59 = tpu.memref_slice %arg21[%mul3A_34] : memref<100000xf32, #tpu.memory_space<vmem_shared>> -> memref<10000xf32, #tpu.memory_space<vmem_shared>>
        tpu.enqueue_dma source(%dma_start3A_59 : memref<10000xf32, #tpu.memory_space<vmem_shared>>) target(%dma_start3A_58 : memref<10000xf32, #tpu.memory_space<vmem>>) target_semaphore(%run_scoped3A : memref<!tpu.dma_semaphore, #tpu.memory_space<semaphore_mem>>)
        %dma_wait3A = arith.constant 0 : i32
        %dma_wait3A_60 = tpu.memref_slice %arg16[%dma_wait3A] : memref<6400xf32, #tpu.memory_space<vmem>> -> memref<10000xf32, #tpu.memory_space<vmem>>
        %dma_wait3A_61 = tpu.memref_slice %arg21[%mul3A_34] : memref<100000xf32, #tpu.memory_space<vmem_shared>> -> memref<10000xf32, #tpu.memory_space<vmem_shared>>
        %dma_wait3A_62 = arith.constant 0 : i32
        %dma_wait3A_63 = tpu.memref_slice %arg16[%dma_wait3A_62] : memref<6400xf32, #tpu.memory_space<vmem>> -> memref<10000xf32, #tpu.memory_space<vmem>>
        %dma_wait3A_64 = tpu.memref_slice %arg21[%mul3A_34] : memref<100000xf32, #tpu.memory_space<vmem_shared>> -> memref<10000xf32, #tpu.memory_space<vmem_shared>>
        tpu.wait_dma2 semaphore(%run_scoped3A : memref<!tpu.dma_semaphore, #tpu.memory_space<semaphore_mem>>) src(%dma_wait3A_64 : memref<10000xf32, #tpu.memory_space<vmem_shared>>) dst(%dma_wait3A_63 : memref<10000xf32, #tpu.memory_space<vmem>>)
        tpu.yield
      }) : () -> ()
      %eq3A_44 = arith.constant 0 : i32
      %eq3A_45 = arith.cmpi eq, %arg0, %eq3A_44 : i32
      %convert_element_type3A_46 = arith.extui %eq3A_45 : i1 to i32
      %cond3A_47 = arith.constant 0 : i32
      %cond3A_48 = arith.cmpi ne, %convert_element_type3A_46, %cond3A_47 : i32
      scf.if %cond3A_48 {
        "tpu.region"() ({
          %run_scoped3A = tpu.sem_alloc : memref<!tpu.dma_semaphore, #tpu.memory_space<semaphore_mem>>
          %dma_start3A_54 = arith.constant 0 : i32
          %dma_start3A_55 = tpu.memref_slice %arg16[%dma_start3A_54] : memref<6400xf32, #tpu.memory_space<vmem>> -> memref<10000xf32, #tpu.memory_space<vmem>>
          %dma_start3A_56 = tpu.memref_slice %arg8[%mul3A_34] : memref<100000xf32, #tpu.memory_space<hbm>> -> memref<10000xf32, #tpu.memory_space<hbm>>
          %dma_start3A_57 = tpu.memref_slice %arg8[%mul3A_34] : memref<100000xf32, #tpu.memory_space<hbm>> -> memref<10000xf32, #tpu.memory_space<hbm>>
          %dma_start3A_58 = arith.constant 0 : i32
          %dma_start3A_59 = tpu.memref_slice %arg16[%dma_start3A_58] : memref<6400xf32, #tpu.memory_space<vmem>> -> memref<10000xf32, #tpu.memory_space<vmem>>
          tpu.enqueue_dma source(%dma_start3A_59 : memref<10000xf32, #tpu.memory_space<vmem>>) target(%dma_start3A_57 : memref<10000xf32, #tpu.memory_space<hbm>>) target_semaphore(%run_scoped3A : memref<!tpu.dma_semaphore, #tpu.memory_space<semaphore_mem>>)
          %dma_wait3A = arith.constant 0 : i32
          %dma_wait3A_60 = tpu.memref_slice %arg16[%dma_wait3A] : memref<6400xf32, #tpu.memory_space<vmem>> -> memref<10000xf32, #tpu.memory_space<vmem>>
          %dma_wait3A_61 = tpu.memref_slice %arg8[%mul3A_34] : memref<100000xf32, #tpu.memory_space<hbm>> -> memref<10000xf32, #tpu.memory_space<hbm>>
          %dma_wait3A_62 = tpu.memref_slice %arg8[%mul3A_34] : memref<100000xf32, #tpu.memory_space<hbm>> -> memref<10000xf32, #tpu.memory_space<hbm>>
          %dma_wait3A_63 = arith.constant 0 : i32
          %dma_wait3A_64 = tpu.memref_slice %arg16[%dma_wait3A_63] : memref<6400xf32, #tpu.memory_space<vmem>> -> memref<10000xf32, #tpu.memory_space<vmem>>
          tpu.wait_dma2 semaphore(%run_scoped3A : memref<!tpu.dma_semaphore, #tpu.memory_space<semaphore_mem>>) src(%dma_wait3A_64 : memref<10000xf32, #tpu.memory_space<vmem>>) dst(%dma_wait3A_62 : memref<10000xf32, #tpu.memory_space<hbm>>)
          tpu.yield
        }) : () -> ()
      } else {
      }
      %eq3A_49 = arith.constant 1 : i32
      %eq3A_50 = arith.cmpi eq, %arg0, %eq3A_49 : i32
      %convert_element_type3A_51 = arith.extui %eq3A_50 : i1 to i32
      %cond3A_52 = arith.constant 0 : i32
      %cond3A_53 = arith.cmpi ne, %convert_element_type3A_51, %cond3A_52 : i32
      scf.if %cond3A_53 {
        "tpu.region"() ({
          %run_scoped3A = tpu.sem_alloc : memref<!tpu.dma_semaphore, #tpu.memory_space<semaphore_mem>>
          %dma_start3A_54 = arith.constant 0 : i32
          %dma_start3A_55 = tpu.memref_slice %arg16[%dma_start3A_54] : memref<6400xf32, #tpu.memory_space<vmem>> -> memref<10000xf32, #tpu.memory_space<vmem>>
          %dma_start3A_56 = tpu.memref_slice %arg9[%mul3A_34] : memref<100000xf32, #tpu.memory_space<hbm>> -> memref<10000xf32, #tpu.memory_space<hbm>>
          %dma_start3A_57 = tpu.memref_slice %arg9[%mul3A_34] : memref<100000xf32, #tpu.memory_space<hbm>> -> memref<10000xf32, #tpu.memory_space<hbm>>
          %dma_start3A_58 = arith.constant 0 : i32
          %dma_start3A_59 = tpu.memref_slice %arg16[%dma_start3A_58] : memref<6400xf32, #tpu.memory_space<vmem>> -> memref<10000xf32, #tpu.memory_space<vmem>>
          tpu.enqueue_dma source(%dma_start3A_59 : memref<10000xf32, #tpu.memory_space<vmem>>) target(%dma_start3A_57 : memref<10000xf32, #tpu.memory_space<hbm>>) target_semaphore(%run_scoped3A : memref<!tpu.dma_semaphore, #tpu.memory_space<semaphore_mem>>)
          %dma_wait3A = arith.constant 0 : i32
          %dma_wait3A_60 = tpu.memref_slice %arg16[%dma_wait3A] : memref<6400xf32, #tpu.memory_space<vmem>> -> memref<10000xf32, #tpu.memory_space<vmem>>
          %dma_wait3A_61 = tpu.memref_slice %arg9[%mul3A_34] : memref<100000xf32, #tpu.memory_space<hbm>> -> memref<10000xf32, #tpu.memory_space<hbm>>
          %dma_wait3A_62 = tpu.memref_slice %arg9[%mul3A_34] : memref<100000xf32, #tpu.memory_space<hbm>> -> memref<10000xf32, #tpu.memory_space<hbm>>
          %dma_wait3A_63 = arith.constant 0 : i32
          %dma_wait3A_64 = tpu.memref_slice %arg16[%dma_wait3A_63] : memref<6400xf32, #tpu.memory_space<vmem>> -> memref<10000xf32, #tpu.memory_space<vmem>>
          tpu.wait_dma2 semaphore(%run_scoped3A : memref<!tpu.dma_semaphore, #tpu.memory_space<semaphore_mem>>) src(%dma_wait3A_64 : memref<10000xf32, #tpu.memory_space<vmem>>) dst(%dma_wait3A_62 : memref<10000xf32, #tpu.memory_space<hbm>>)
          tpu.yield
        }) : () -> ()
      } else {
      }
    } else {
    }
    return
  }
}

module attributes {stable_mosaic.version = 14 : i64} {
  func.func @body(%arg0: i32, %arg1: memref<1600x8xf32, #tpu.memory_space<vmem>>, %arg2: memref<1600x8xf32, #tpu.memory_space<vmem>>, %arg3: memref<1600x8xf32, #tpu.memory_space<vmem>>, %arg4: memref<1600x8xf32, #tpu.memory_space<vmem>>, %arg5: memref<1600x8xf32, #tpu.memory_space<vmem>>, %arg6: memref<8x128xf32, #tpu.memory_space<vmem>>, %arg7: memref<1x128xf32, #tpu.memory_space<vmem>>, %arg8: memref<1x128xf32, #tpu.memory_space<vmem>>, %arg9: memref<1x128xf32, #tpu.memory_space<vmem>>, %arg10: memref<1600x128xf32, #tpu.memory_space<vmem>>) attributes {dimension_semantics = [#tpu.dimension_semantics<arbitrary>], iteration_bounds = array<i64: 8>, scalar_prefetch = 0 : i64, scratch_operands = 0 : i64, tpu.core_type = #tpu.core_type<tc>, window_params = [{transform_indices = @transform_0, window_bounds = array<i64: 1600, 8>}, {transform_indices = @transform_1, window_bounds = array<i64: 1600, 8>}, {transform_indices = @transform_2, window_bounds = array<i64: 1600, 8>}, {transform_indices = @transform_3, window_bounds = array<i64: 1600, 8>}, {transform_indices = @transform_4, window_bounds = array<i64: 1600, 8>}, {pipeline_mode = #tpu.pipeline_mode<synchronous>, transform_indices = @transform_5, window_bounds = array<i64: 8, 128>}, {pipeline_mode = #tpu.pipeline_mode<synchronous>, transform_indices = @transform_6, window_bounds = array<i64: 1, 128>}, {pipeline_mode = #tpu.pipeline_mode<synchronous>, transform_indices = @transform_7, window_bounds = array<i64: 1, 128>}, {pipeline_mode = #tpu.pipeline_mode<synchronous>, transform_indices = @transform_8, window_bounds = array<i64: 1, 128>}, {transform_indices = @transform_9, window_bounds = array<i64: 1600, 128>}]} {
    %get3A = arith.constant 0 : index
    %get3A_0 = arith.constant 0 : index
    %get3A_1 = vector.load %arg1[%get3A, %get3A_0] : memref<1600x8xf32, #tpu.memory_space<vmem>>, vector<1600x8xf32>
    %get3A_2 = arith.constant 0 : index
    %get3A_3 = arith.constant 0 : index
    %get3A_4 = vector.load %arg2[%get3A_2, %get3A_3] : memref<1600x8xf32, #tpu.memory_space<vmem>>, vector<1600x8xf32>
    %add3A = arith.addf %get3A_1, %get3A_4 : vector<1600x8xf32>
    %get3A_5 = arith.constant 0 : index
    %get3A_6 = arith.constant 0 : index
    %get3A_7 = vector.load %arg3[%get3A_5, %get3A_6] : memref<1600x8xf32, #tpu.memory_space<vmem>>, vector<1600x8xf32>
    %get3A_8 = arith.constant 0 : index
    %get3A_9 = arith.constant 0 : index
    %get3A_10 = vector.load %arg4[%get3A_8, %get3A_9] : memref<1600x8xf32, #tpu.memory_space<vmem>>, vector<1600x8xf32>
    %add3A_11 = arith.addf %get3A_7, %get3A_10 : vector<1600x8xf32>
    %max3A = arith.constant 1.000000e+00 : f32
    %max3A_12 = vector.broadcast %max3A : f32 to vector<1600x8xf32>
    %max3A_13 = arith.maximumf %add3A_11, %max3A_12 : vector<1600x8xf32>
    %div3A = arith.divf %add3A, %max3A_13 : vector<1600x8xf32>
    %get3A_14 = arith.constant 0 : index
    %get3A_15 = arith.constant 0 : index
    %get3A_16 = vector.load %arg6[%get3A_14, %get3A_15] : memref<8x128xf32, #tpu.memory_space<vmem>>, vector<8x128xf32>
    %dot_general3A = arith.constant dense<0.000000e+00> : vector<1600x128xf32>
    %dot_general3A_17 = tpu.matmul %div3A, %get3A_16, %dot_general3A {dimension_numbers = #tpu.dot_dimension_numbers<[1], [0], [0], [1], [0, 0, 1, 1], [], []>, precision = #tpu.contract_precision<fp32>, transpose_lhs_hint = false} : vector<1600x8xf32>, vector<8x128xf32>, vector<1600x128xf32> -> vector<1600x128xf32>
    %get3A_18 = arith.constant 0 : index
    %get3A_19 = arith.constant 0 : index
    %get3A_20 = vector.load %arg5[%get3A_18, %get3A_19] : memref<1600x8xf32, #tpu.memory_space<vmem>>, vector<1600x8xf32>
    %get3A_21 = arith.constant 0 : index
    %get3A_22 = arith.constant 0 : index
    %get3A_23 = vector.load %arg6[%get3A_21, %get3A_22] : memref<8x128xf32, #tpu.memory_space<vmem>>, vector<8x128xf32>
    %dot_general3A_24 = arith.constant dense<0.000000e+00> : vector<1600x128xf32>
    %dot_general3A_25 = tpu.matmul %get3A_20, %get3A_23, %dot_general3A_24 {dimension_numbers = #tpu.dot_dimension_numbers<[1], [0], [0], [1], [0, 0, 1, 1], [], []>, precision = #tpu.contract_precision<fp32>, transpose_lhs_hint = false} : vector<1600x8xf32>, vector<8x128xf32>, vector<1600x128xf32> -> vector<1600x128xf32>
    %get3A_26 = arith.constant 0 : index
    %get3A_27 = arith.constant 0 : index
    %get3A_28 = vector.load %arg7[%get3A_26, %get3A_27] : memref<1x128xf32, #tpu.memory_space<vmem>>, vector<1x128xf32>
    %mul3A = vector.broadcast %get3A_28 : vector<1x128xf32> to vector<1600x128xf32>
    %mul3A_29 = arith.mulf %dot_general3A_17, %mul3A : vector<1600x128xf32>
    %get3A_30 = arith.constant 0 : index
    %get3A_31 = arith.constant 0 : index
    %get3A_32 = vector.load %arg8[%get3A_30, %get3A_31] : memref<1x128xf32, #tpu.memory_space<vmem>>, vector<1x128xf32>
    %add3A_33 = vector.broadcast %get3A_32 : vector<1x128xf32> to vector<1600x128xf32>
    %add3A_34 = arith.addf %mul3A_29, %add3A_33 : vector<1600x128xf32>
    %get3A_35 = arith.constant 0 : index
    %get3A_36 = arith.constant 0 : index
    %get3A_37 = vector.load %arg9[%get3A_35, %get3A_36] : memref<1x128xf32, #tpu.memory_space<vmem>>, vector<1x128xf32>
    %mul3A_38 = vector.broadcast %get3A_37 : vector<1x128xf32> to vector<1600x128xf32>
    %mul3A_39 = arith.mulf %dot_general3A_25, %mul3A_38 : vector<1600x128xf32>
    %add3A_40 = arith.addf %add3A_34, %mul3A_39 : vector<1600x128xf32>
    %max3A_41 = arith.constant 0.000000e+00 : f32
    %max3A_42 = vector.broadcast %max3A_41 : f32 to vector<1600x128xf32>
    %max3A_43 = arith.maximumf %add3A_40, %max3A_42 : vector<1600x128xf32>
    %swap3A = arith.constant 0 : index
    %swap3A_44 = arith.constant 0 : index
    %swap3A_45 = vector.load %arg10[%swap3A, %swap3A_44] : memref<1600x128xf32, #tpu.memory_space<vmem>>, vector<1600x128xf32>
    tpu.vector_store %arg10[%swap3A, %swap3A_44], %max3A_43 {strides = array<i32>} : memref<1600x128xf32, #tpu.memory_space<vmem>>, vector<1600x128xf32>,
    return
  }
  func.func @transform_0(%arg0: i32) -> (i32, i32) {
    %c0_i32 = arith.constant 0 : i32
    %c0_i32_0 = arith.constant 0 : i32
    return %arg0, %c0_i32 : i32, i32
  }
  func.func @transform_1(%arg0: i32) -> (i32, i32) {
    %c0_i32 = arith.constant 0 : i32
    %c0_i32_0 = arith.constant 0 : i32
    return %arg0, %c0_i32 : i32, i32
  }
  func.func @transform_2(%arg0: i32) -> (i32, i32) {
    %c0_i32 = arith.constant 0 : i32
    %c0_i32_0 = arith.constant 0 : i32
    return %arg0, %c0_i32 : i32, i32
  }
  func.func @transform_3(%arg0: i32) -> (i32, i32) {
    %c0_i32 = arith.constant 0 : i32
    %c0_i32_0 = arith.constant 0 : i32
    return %arg0, %c0_i32 : i32, i32
  }
  func.func @transform_4(%arg0: i32) -> (i32, i32) {
    %c0_i32 = arith.constant 0 : i32
    %c0_i32_0 = arith.constant 0 : i32
    return %arg0, %c0_i32 : i32, i32
  }
  func.func @transform_5(%arg0: i32) -> (i32, i32) {
    %c0_i32 = arith.constant 0 : i32
    %c0_i32_0 = arith.constant 0 : i32
    %c0_i32_1 = arith.constant 0 : i32
    return %c0_i32, %c0_i32_0 : i32, i32
  }
  func.func @transform_6(%arg0: i32) -> (i32, i32) {
    %c0_i32 = arith.constant 0 : i32
    %c0_i32_0 = arith.constant 0 : i32
    %c0_i32_1 = arith.constant 0 : i32
    return %c0_i32, %c0_i32_0 : i32, i32
  }
  func.func @transform_7(%arg0: i32) -> (i32, i32) {
    %c0_i32 = arith.constant 0 : i32
    %c0_i32_0 = arith.constant 0 : i32
    %c0_i32_1 = arith.constant 0 : i32
    return %c0_i32, %c0_i32_0 : i32, i32
  }
  func.func @transform_8(%arg0: i32) -> (i32, i32) {
    %c0_i32 = arith.constant 0 : i32
    %c0_i32_0 = arith.constant 0 : i32
    %c0_i32_1 = arith.constant 0 : i32
    return %c0_i32, %c0_i32_0 : i32, i32
  }
  func.func @transform_9(%arg0: i32) -> (i32, i32) {
    %c0_i32 = arith.constant 0 : i32
    %c0_i32_0 = arith.constant 0 : i32
    return %arg0, %c0_i32 : i32, i32
  }
}

</mosaic_0001>

<sc_bundles>
// kernel: kernel.4.cloned.1.call-start
scs
__scs_entry_jumppad:
0x0: {  	(pc) =	sbr.rel $0x88, $3  }
0x1: {  	(tag) =	ssettag $0x0;
	lr =	simm.s32 $0x1  }
0x2: {  	[smem:$0x3F9C] =	sst lr;
	_ =	strace $0xD0000000  }
0x3: {  	_ = 	snop  }
0x4: {  	_ = 	snop  }
0x5: {  	_ = 	snop  }
0x6: {  	_ = 	snop  }
0x7: {  	_ = 	snop  }
__scs_overlays_trampoline_lowered:
0x8: {  	[smem:$0x3FAB] =	sst s0  }
0x9: {  	[smem:$0x3FAC] =	sst s1  }
0xa: {  	[smem:$0x3FAD] =	sst s2  }
0xb: {  	[smem:$0x3FAE] =	sst s3  }
0xc: {  	[smem:$0x3FAF] =	sst s4  }
0xd: {  	[smem:$0x3FB0] =	sst s5  }
0xe: {  	[smem:$0x3FB1] =	sst s6  }
0xf: {  	[smem:$0x3FB2] =	sst s7  }
0x10: {  	[smem:$0x3FB3] =	sst s8  }
0x11: {  	[smem:$0x3FB4] =	sst s9;
	s0 =	simm.s32 @!p0 $0x0  }
0x12: {  	s1 =	sld [smem:$0x3F9A];
	s0 =	simm.s32 @p0 $0x1  }
0x13: {  	[smem:$0x3FB5] =	sst s0;
	s0 =	simm.s32 @!p1 $0x0  }
0x14: {  	s2 =	sld [smem:$0x3F99];
	s0 =	simm.s32 @p1 $0x1  }
0x15: {  	[smem:$0x3FB6] =	sst s0;
	s0 =	simm.s32 @!p2 $0x0  }
0x16: {  	s3 =	sld [smem:$0x3FDB];
	s0 =	simm.s32 @p2 $0x1  }
0x17: {  	s4 =	simm.s32 $0x1BF5;
	[smem:$0x3FB8] =	sst s0  }
0x18: {  	s0 =	sld [smem:$0x3F9B];
	_ =	swait.ge [sflag:s4], $0x0  }
0x19: {  	s7 =	sld [smem:$0x3F9C]  }
0x1a: {  	s8 =	sadd.s32 $0xFFFFE003, lr  }
0x1b: {  	s9 =	sadd.s32 $0xFFFFFEF7, lr;
	s5 =	simm.s32 $0xFFFFFFFF;
	p2 =	slt.u32 s8, $0xFFFFF086  }
0x1c: {  	p1 =	slt.u32 s9, $0xF7A;
	s5 =	simm.s32 @!p2 $0x0  }
0x1d: {  	s5 =	simm.s32 @p1 $0x1;
	p0 =	seq.s32 s7, s2  }
0x1e: {  	s7 =	smul.u32 @!p0 $0xF7A, s2;
	p2 =	seq.s32 @!p0 s5, $0x0  }
0x1f: {  	s9 =	smul.u32 $0xF7A, s1;
	s8 =	simm.s32 @!p0 $0x1BF5;
	p2 =	por !p2, p0  }
0x20: {  	[sflag:s8] =	ssyncset.s32 @!p0 $0xFFFFF086;
	s6 =	sadd.s32 @!p0 s3, s7;
	s7 =	simm.s32 @!p0 $0x108  }
0x21: {  	s3 =	sadd.s32 s3, s9;
	s6 =	sadd.s32 @!p0 $0x88, s6;
	s7 =	simm.s32 @p2 $0x1082  }
0x22: {  	[simem:s7], [sflag:s8] =	dma.local @!p0 [hbm:s6], $0xF7A  }
0x23: {  	s9 =	sor.u32 $0xD0000000, s2;
	s6 =	simm.s32 $0x108;
	_ =	swait.ge @!p0 [sflag:s8], $0x0  }
0x24: {  	s3 =	sadd.s32 $0x88, s3;
	s6 =	simm.s32 @!p1 $0x1082;
	[sflag:s4] =	ssyncset.s32 $0xFFFFF086  }
0x25: {  	[simem:s6], [sflag:s4] =	dma.local [hbm:s3], $0xF7A  }
0x26: {  	[smem:$0x3F9C] =	sst s1;
	(tag) =	ssettag s2;
	_ =	strace s9  }
0x27: {  	s1 =	sld [smem:$0x3FAC]  }
0x28: {  	s2 =	sld [smem:$0x3FAD]  }
0x29: {  	s4 =	sld [smem:$0x3FAF]  }
0x2a: {  	p0 =	seq.s32 s5, $0x0;
	s5 =	sld [smem:$0x3FB0]  }
0x2b: {  	s6 =	sld [smem:$0x3FB1]  }
0x2c: {  	s7 =	sld [smem:$0x3FB2]  }
0x2d: {  	s3 =	simm.s32 $0x108;
	s8 =	sld [smem:$0x3FB3]  }
0x2e: {  	s3 =	simm.s32 @!p0 $0x1082;
	s9 =	sld [smem:$0x3FB4]  }
0x2f: {  	lr =	sadd.s32 s0, s3;
	s0 =	sld [smem:$0x3FAB]  }
0x30: {  	s3 =	sld [smem:$0x3FAE]  }
0x31: {  	[smem:$0x3FB7] =	sst s10  }
0x32: {  	s10 =	sld [smem:$0x3FB5];
	_ =	sdelay $0x3  }
0x33: {  	p0 =	seq.s32 s10, $0x1;
	s10 =	sld [smem:$0x3FB7];
	_ =	sdelay $0x3  }
0x34: {  	[smem:$0x3FB7] =	sst s10  }
0x35: {  	s10 =	sld [smem:$0x3FB6];
	_ =	sdelay $0x3  }
0x36: {  	p1 =	seq.s32 s10, $0x1;
	s10 =	sld [smem:$0x3FB7];
	_ =	sdelay $0x3  }
0x37: {  	[smem:$0x3FB7] =	sst s10  }
0x38: {  	s10 =	sld [smem:$0x3FB8]  }
0x39: {  	_ = 	snop;
	(pc) =	sbr.ind lr, $3  }
0x3a: {  	_ = 	snop  }
0x3b: {  	_ = 	snop  }
0x3c: {  	p2 =	seq.s32 s10, $0x1;
	s10 =	sld [smem:$0x3FB7]  }
0x3d: {  	_ =	shalt  }
0x3e: {  	_ =	shalt  }
0x3f: {  	_ =	shalt  }
0x40: {  	_ =	shalt  }
0x41: {  	_ =	shalt  }
0x42: {  	_ =	shalt  }
0x43: {  	_ =	shalt  }
0x44: {  	_ =	shalt  }
0x45: {  	_ =	shalt  }
0x46: {  	_ =	shalt  }
0x47: {  	_ =	shalt  }
0x48: {  	_ =	shalt  }
0x49: {  	_ =	shalt  }
0x4a: {  	_ =	shalt  }
0x4b: {  	_ =	shalt  }
0x4c: {  	_ =	shalt  }
0x4d: {  	_ =	shalt  }
0x4e: {  	_ =	shalt  }
0x4f: {  	_ =	shalt  }
0x50: {  	_ =	shalt  }
0x51: {  	_ =	shalt  }
0x52: {  	_ =	shalt  }
0x53: {  	_ =	shalt  }
0x54: {  	_ =	shalt  }
0x55: {  	_ =	shalt  }
0x56: {  	_ =	shalt  }
0x57: {  	_ =	shalt  }
0x58: {  	_ =	shalt  }
0x59: {  	_ =	shalt  }
0x5a: {  	_ =	shalt  }
0x5b: {  	_ =	shalt  }
0x5c: {  	_ =	shalt  }
0x5d: {  	_ =	shalt  }
0x5e: {  	_ =	shalt  }
0x5f: {  	_ =	shalt  }
0x60: {  	_ =	shalt  }
0x61: {  	_ =	shalt  }
0x62: {  	_ =	shalt  }
0x63: {  	_ =	shalt  }
0x64: {  	_ =	shalt  }
0x65: {  	_ =	shalt  }
0x66: {  	_ =	shalt  }
0x67: {  	_ =	shalt  }
0x68: {  	_ =	shalt  }
0x69: {  	_ =	shalt  }
0x6a: {  	_ =	shalt  }
0x6b: {  	_ =	shalt  }
0x6c: {  	_ =	shalt  }
0x6d: {  	_ =	shalt  }
0x6e: {  	_ =	shalt  }
0x6f: {  	_ =	shalt  }
0x70: {  	_ =	shalt  }
0x71: {  	_ =	shalt  }
0x72: {  	_ =	shalt  }
0x73: {  	_ =	shalt  }
0x74: {  	_ =	shalt  }
0x75: {  	_ =	shalt  }
0x76: {  	_ =	shalt  }
0x77: {  	_ =	shalt  }
0x78: {  	_ =	shalt  }
0x79: {  	_ =	shalt  }
0x7a: {  	_ =	shalt  }
0x7b: {  	_ =	shalt  }
0x7c: {  	_ =	shalt  }
0x7d: {  	_ =	shalt  }
0x7e: {  	_ =	shalt  }
0x7f: {  	_ =	shalt  }
0x80: {  	_ =	shalt  }
0x81: {  	_ =	shalt  }
0x82: {  	_ =	shalt  }
0x83: {  	_ =	shalt  }
0x84: {  	_ =	shalt  }
0x85: {  	_ =	shalt  }
0x86: {  	_ =	shalt  }
0x87: {  	_ =	shalt  }
.Lfunc_end0:
.L_simem_size_0:
called_computation_lowered:
.L_overlay_start_0:
0x88: {  	s2 =	sld [smem:$0x3FD9]  }
0x89: {  	s3 =	sld [smem:$0x3FFE];
	_ =	sdelay $0x1  }
0x8a: {  	s1 =	srdreg.scid  }
0x8b: {  	s0 =	sand.u32 $0x1, s1  }
0x8c: {  	s17 =	sshll.u32 s0, $0xA;
	s2 =	sadd.s32 s3, s2  }
0x8d: {  	s2 =	sadd.s32 s2, s17  }
0x8e: {  	[smem:$0x3FC3] =	sst s2  }
0x8f: {  	_ = 	snop  }
0x90: {  	s2 =	sld [smem:$0x3FC8]  }
0x91: {  	s18 =	sld [smem:$0x3FD0];
	(tm) =	ssettm $0x1  }
0x92: {  	s4 =	sld [smem:$0x3FFB];
	_ =	sdelay $0x3  }
0x93: {  	_ =	strace s4  }
0x94: {  	s4 =	sld [smem:$0x3FFC];
	_ =	sdelay $0x3  }
0x95: {  	_ =	strace s4  }
0x96: {  	s4 =	sld [smem:$0x3FFD];
	_ =	sdelay $0x3  }
0x97: {  	_ =	strace s4  }
0x98: {  	_ =	strace $0x8FFFFFFF  }
0x99: {  	s19 =	sld [smem:$0x3FDB];
	_ =	sdelay $0x1  }
0x9a: {  	s5 =	simm.s32 $_scs_section_size  }
0x9b: {  	s6 =	simm.s32 $_size__tile_overlayer_lowered;
	s7 =	simm.s32 $_tile_overlayer_lowered  }
0x9c: {  	s22 =	simm.s32 $0x1BFF;
	s21 =	sshll.u32 s7, $0x1;
	s4 =	sadd.s32 s5, s19  }
0x9d: {  	s8 =	simm.s32 $0x0;
	s20 =	sshll.u32 s6, $0x1;
	s6 =	sadd.s32 s21, s4  }
0x9e: {  	[timem:s8], [sflag:s22] =	dma.local [hbm:s6], s20  }
0x9f: {  	_ =	swait.ge [sflag:s22], s20  }
0xa0: {  	s5 =	ssub.s32 $0x0, s20;
	[sflag:s22] =	ssyncset.done $0x0  }
0xa1: {  	[sflag:s22] =	ssyncadd.s32 s5;
	_ =	sdelay $0x1  }
0xa2: {  	s23 =	simm.s32 $0x1B8B  }
0xa3: {  	_ =	swait.ge [sflag:s23], $0x1  }
0xa4: {  	[sflag:s23] =	ssyncset.done $0x0  }
0xa5: {  	s25 =	simm.s32 $0x1B8E;
	s24 =	sld [smem:$0x3FFE];
	[sflag:s23] =	ssyncadd.s32 $0xFFFFFFFF  }
0xa6: {  	s26 =	simm.s32 $execute0_lowered;
	[smem:$0x3FD2] =	sst s25  }
0xa7: {  	s6 =	sshll.u32 s26, $0x1;
	_ =	strace $0x80000046;
	[dreg:$0x1] =	wrdreg $0xFFFFFFFF  }
0xa8: {  	s28 =	simm.s32 $_size_execute0_lowered;
	s4 =	sadd.s32 s4, s6;
	[dreg:$0x0] =	wrdreg $0x0  }
0xa9: {  	s6 =	sshll.u32 s28, $0x1;
	[dreg:$0x2] =	wrdreg s4  }
0xaa: {  	[dreg:$0x3] =	wrdreg s6  }
0xab: {  	[dreg:$0x4] =	wrdreg $0xC0  }
0xac: {  	_ =	task [dreg:s8], $0x5FFFF  }
0xad: {  	[dreg:$0x1] =	wrdreg $0xFFFFFFFF  }
0xae: {  	[dreg:$0x0] =	wrdreg $0x60  }
0xaf: {  	[dreg:$0x2] =	wrdreg s18  }
0xb0: {  	[dreg:$0x3] =	wrdreg s2  }
0xb1: {  	[dreg:$0x4] =	wrdreg s24  }
0xb2: {  	[dreg:$0x5] =	wrdreg $0x12B700  }
0xb3: {  	[dreg:$0x6] =	wrdreg $0x143E00  }
0xb4: {  	[dreg:$0x7] =	wrdreg $0x113000  }
0xb5: {  	[dreg:$0x8] =	wrdreg $0x9  }
0xb6: {  	_ =	task.clear_ibuf [dreg:s8], $0x9FFFF;
	_ =	strace $0x90000046  }
0xb7: {  	s29 =	simm.s32 $0x9;
	_ =	strace $0x80000048  }
0xb8: {  	_ =	swait.ge [sflag:s29], $0x1  }
0xb9: {  	[sflag:s29] =	ssyncadd.s32 $0xFFFFFFFF  }
0xba: {  	_ =	strace $0x90000048  }
0xbb: {  	_ =	sfence  }
0xbc: {  	s30 =	sld [smem:$0x0];
	_ =	sdelay $0x2  }
0xbd: {  	s31 =	sshll.u32 s1, $0xD;
	s1 =	sshrl.u32 s1, $0x2  }
0xbe: {  	s3 =	sand.u32 $0x4000, s31;
	s1 =	sadd.s32 s1, s30  }
0xbf: {  	s0 =	sor.u32 s3, s0;
	s1 =	sshll.u32 s1, $0x11  }
0xc0: {  	s0 =	sor.u32 s1, s0  }
0xc1: {  	s0 =	sadd.s32 $0x8F2B, s0  }
0xc2: {  	[sflag:s0] =	ssyncadd.remote.s32 $0x1  }
0xc3: {  	_ =	sfence.sel $0xFFFF  }
0xc4: {  	[dreg:$0x0] =	wrdreg $0xFFFFFFFF;
	(pc) =	sbr.abs _section_cstart, $3  }
0xc5: {  	[dreg:$0x1] =	wrdreg $0xFFFFFFFF  }
0xc6: {  	_ =	task.clear_ibuf [dreg:s8], $0x2FFFF;
	_ =	strace $0x9FFFFFFF  }
0xc7: {  	(tm) =	ssettm $0x7FFFFFFF  }
tec
execute0_lowered:
.L_overlay_start_1:
0x0: {  	(tag) =	ssettag $0x1  }
0x1: {  	s0 =	rddreg [dreg:$0x0]  }
0x2: {  	s1 =	rddreg [dreg:$0x1]  }
0x3: {  	s6 =	rddreg [dreg:$0x2]  }
0x4: {  	s2 =	rddreg [dreg:$0x3]  }
0x5: {  	s3 =	rddreg [dreg:$0x4]  }
0x6: {  	s4 =	rddreg [dreg:$0x5];
	s5 =	simm.s32 $0x0  }
0x7: {  	s22 =	srdreg.scid;
	s18 =	stileid.u32;
	s19 =	simm.s32 $0x6  }
0x8: {  	s20 =	simm.s32 $0x80;
	s28 =	simm.s32 $0x5;
	s29 =	simm.s32 $0x7D00  }
0x9: {  	s30 =	simm.s32 $0x3200;
	s31 =	simm.s32 $0x2;
	[smem:$0x7FF] =	sst s5  }
0xa: {  	s7 =	sadd.s32 $0x1200, s6;
	s21 =	sadd.s32 $0x1600, s6;
	s8 =	sadd.s32 $0x1C00, s6  }
0xb: {  	s12 =	sadd.s32 $0x4E00, s6;
	s13 =	sadd.s32 $0x8000, s6;
	s14 =	smul.u32 $0x2710, s18  }
0xc: {  	s6 =	sadd.s32 $0xB200, s6;
	_ =	strace $0x80000047;
	[dreg:$0x7] =	wrdreg s7  }
0xd: {  	[dreg:$0x8] =	wrdreg s21;
	s7 =	sand.u32 $0x1, s22;
	s21 =	simm.s32 $0x100  }
0xe: {  	s22 =	simm.s32 $0x6400;
	s9 =	ssub.s32 $0x2, s7;
	s11 =	sshll.u32 s7, $0x4  }
0xf: {  	s16 =	sshrl.u32 s14, $0x3;
	p0 =	seq.s32 s7, $0x0;
	s23 =	sadd.s32 s14, s4  }
0x10: {  	s10 =	sshrl.u32 s9, $0x1;
	s0 =	sadd.s32 s0, s16;
	[dreg:$0xa] =	wrdreg s23  }
0x11: {  	s12 =	smov.u32 @p0 s8;
	s6 =	smov.u32 @p0 s13;
	p0 =	sgt.u32 s18, $0x9  }
0x12: {  	s23 =	simm.s32 $0x1;
	s8 =	simm.s32 $0xE100;
	s15 =	ssub.s32 s9, s10  }
0x13: {  	s9 =	sor.u32 s18, s11;
	s10 =	sadd.s32 s14, s2;
	s11 =	sadd.s32 s14, s3  }
0x14: {  	[dreg:$0x9] =	wrdreg s0;
	s25 =	sadd.s32 s12, s16;
	s26 =	sadd.s32 s6, s16  }
.Ltmp0:
0x15: {  	s18 =	simm.s32 $0xFA00;
	s0 =	simm.s32 $0xAF00;
	(pc) =	sbr.rel .LBB2_1-.Ltmp0, $4  }
0x16: {  	s16 =	simm.s32 $0x3;
	s6 =	simm.s32 $0x0;
	[dreg:$0xc] =	wrdreg s25  }
0x17: {  	s17 =	smul.u32 $0x640, s9;
	s24 =	smax.u32 s15, $0x1;
	[dreg:$0xd] =	wrdreg s26  }
0x18: {  	s25 =	simm.s32 $0x9600;
	p1 =	sgt.u32 s9, $0x7;
	s26 =	simm.s32 $0xC800  }
0x19: {  	[dreg:$0xb] =	wrdreg s24;
	s24 =	simm.s32 $0x1900;
	s14 =	sadd.s32 s1, s17  }
.LBB2_10:
0x1a: {  	s7 =	simm.s32 $0x4  }
0x1b: {  	_ =	swait.ge [sflag:s7], $0x1900  }
0x1c: {  	[sflag:s7] =	ssyncset.done $0x0  }
0x1d: {  	[sflag:s7] =	ssyncadd.s32 $0xFFFFE700  }
0x1e: {  	_ =	swait.ge [sflag:s7], $0x1900  }
0x1f: {  	[sflag:s7] =	ssyncset.done $0x0  }
0x20: {  	[sflag:s7] =	ssyncadd.s32 $0xFFFFE700  }
0x21: {  	[bflag:$0x0] =	sbarrier.arrive $0xFFFF  }
.LBB2_12:
0x22: {  	[tilespmem:s26], [sflag:$0x6] =	stream.linear.gather [spmem:s10], $0x2710, $0x38;
	[tilespmem:$0x15C50] =	vst v63  }
0x23: {  	_ =	swait.ge [sflag:s19], $0x2710  }
0x24: {  	[sflag:s19] =	ssyncset.done $0x0  }
0x25: {  	s7 =	rddreg [dreg:$0xc];
	[sflag:s19] =	ssyncadd.s32 $0xFFFFD8F0  }
0x26: {  	[hbm4b:s7+s5] =	stream.linear.scatter [tilespmem:s26], [sflag:$0x6], $0x2710, $0x38;
	[tilespmem:$0x15C50] =	vst v63  }
0x27: {  	_ =	swait.ge [sflag:s19], $0x2710  }
0x28: {  	[sflag:s19] =	ssyncset.done $0x0  }
0x29: {  	[sflag:s19] =	ssyncadd.s32 $0xFFFFD8F0  }
0x2a: {  	[tilespmem:s26], [sflag:$0x6] =	stream.linear.gather [spmem:s11], $0x2710, $0x38;
	[tilespmem:$0x15C50] =	vst v63  }
0x2b: {  	_ =	swait.ge [sflag:s19], $0x2710  }
0x2c: {  	[sflag:s19] =	ssyncset.done $0x0  }
0x2d: {  	s17 =	rddreg [dreg:$0xd];
	[sflag:s19] =	ssyncadd.s32 $0xFFFFD8F0  }
0x2e: {  	[hbm4b:s17+s5] =	stream.linear.scatter [tilespmem:s26], [sflag:$0x6], $0x2710, $0x38;
	[tilespmem:$0x15C50] =	vst v63  }
0x2f: {  	_ =	swait.ge [sflag:s19], $0x2710  }
0x30: {  	[sflag:s19] =	ssyncset.done $0x0  }
0x31: {  	[sflag:s19] =	ssyncadd.s32 $0xFFFFD8F0  }
.LBB2_13:
0x32: {  	s6 =	sadd.s32 $0x1, s6;
	s7 =	rddreg [dreg:$0xb]  }
0x33: {  	p2 =	sne.s32 s6, s7  }
.Ltmp1:
0x34: {  	_ = 	snop;
	(pc) =	sbr.rel @!p2 .LBB2_14-.Ltmp1, $1  }
0x35: {  	_ =	sdelay $0x3  }
.LBB2_1:
0x36: {  	s7 =	rddreg [dreg:$0x7]  }
0x37: {  	[tilespmem:s18], [sflag:$0x6] =	stream.linear.gather [hbm4b:s7+s5], $0x1900, $0x38;
	[tilespmem:$0x15C50] =	vst v63  }
0x38: {  	_ =	swait.ge [sflag:s19], $0x1900  }
0x39: {  	s12 =	simm.s32 @!p0 $0xC800;
	[sflag:s19] =	ssyncset.done $0x0  }
0x3a: {  	s7 =	simm.s32 @!p0 $0x0;
	s13 =	rddreg [dreg:$0x8];
	[sflag:s19] =	ssyncadd.s32 $0xFFFFE700  }
0x3b: {  	[tilespmem:s12], [sflag:$0x6] =	stream.linear.gather @!p0 [hbm4b:s13+s7], $0x2710, $0x38;
	[tilespmem:$0x15C50] =	vst v63  }
0x3c: {  	s13 =	simm.s32 @!p0 $0x6  }
0x3d: {  	_ =	swait.ge @!p0 [sflag:s13], $0x2710  }
0x3e: {  	[sflag:s13] =	ssyncset.done @!p0 $0x0  }
0x3f: {  	[sflag:s13] =	ssyncadd.s32 @!p0 $0xFFFFD8F0  }
0x40: {  	[spmem:s10] =	stream.linear.scatter @!p0 [tilespmem:s12], [sflag:$0x6], $0x2710, $0x38;
	[tilespmem:$0x15C50] =	vst v63  }
0x41: {  	_ =	swait.ge @!p0 [sflag:s13], $0x2710  }
0x42: {  	[sflag:s13] =	ssyncset.done @!p0 $0x0  }
0x43: {  	[sflag:s13] =	ssyncadd.s32 @!p0 $0xFFFFD8F0  }
0x44: {  	[spmem:s11] =	stream.linear.scatter @!p0 [tilespmem:s12], [sflag:$0x6], $0x2710, $0x38;
	[tilespmem:$0x15C50] =	vst v63  }
0x45: {  	_ =	swait.ge @!p0 [sflag:s13], $0x2710  }
0x46: {  	[sflag:s13] =	ssyncset.done @!p0 $0x0  }
0x47: {  	s15 =	rddreg [dreg:$0x9];
	[sflag:s13] =	ssyncadd.s32 @!p0 $0xFFFFD8F0  }
0x48: {  	[tilespmem:s12], [sflag:$0x6] =	stream.linear.gather @!p0 [hbm4b:s15+s7], $0x2710, $0x38;
	[tilespmem:$0x15C50] =	vst v63  }
0x49: {  	_ =	swait.ge @!p0 [sflag:s13], $0x2710  }
0x4a: {  	[sflag:s13] =	ssyncset.done @!p0 $0x0  }
0x4b: {  	s7 =	rddreg [dreg:$0xa];
	[sflag:s13] =	ssyncadd.s32 @!p0 $0xFFFFD8F0  }
0x4c: {  	[spmem:s7] =	stream.linear.scatter @!p0 [tilespmem:s12], [sflag:$0x6], $0x2710, $0x38;
	[tilespmem:$0x15C50] =	vst v63  }
0x4d: {  	_ =	swait.ge @!p0 [sflag:s13], $0x2710  }
0x4e: {  	[sflag:s13] =	ssyncset.done @!p0 $0x0  }
.Ltmp2:
0x4f: {  	[sflag:s13] =	ssyncadd.s32 @!p0 $0xFFFFD8F0;
	(pc) =	sbr.rel .LBB2_2-.Ltmp2, $4  }
0x50: {  	[bflag:$0x0] =	sbarrier.arrive $0xFFFF  }
0x51: {  	[tilespmem:s22], [sflag:$0x1] =	stream.strided.gather [hbm4b:s14+s20], $0x1900, s21, s20, $0x38;
	[tilespmem:$0x15C50] =	vst v63  }
0x52: {  	s7 =	simm.s32 $0x0  }
0x53: {  	[tilespmem:s5], [sflag:$0x1] =	stream.linear.gather [hbm4b:s14+s5], $0x3200, $0x38;
	[tilespmem:$0x15C50] =	vst v63  }
.LBB2_8:
0x54: {  	_ =	swait.ge [sflag:s16], $0x1900;
	p2 =	sgt.u32 s12, $0x3A7  }
0x55: {  	[sflag:s16] =	ssyncset.done $0x0;
	s12 =	smul.u32 @!p2 $0x3200, s12  }
0x56: {  	[sflag:s16] =	ssyncadd.s32 $0xFFFFE700  }
0x57: {  	s13 =	simm.s32 @!p2 $0x80;
	_ =	swait.ge [sflag:s16], $0x1900;
	s12 =	sshrl.u32 @!p2 s12, $0x3  }
0x58: {  	s15 =	simm.s32 @!p2 $0x100;
	[sflag:s16] =	ssyncset.done $0x0;
	s12 =	sadd.s32 @!p2 s1, s12  }
0x59: {  	s17 =	simm.s32 @!p2 $0x6400;
	[sflag:s16] =	ssyncadd.s32 $0xFFFFE700;
	s12 =	sadd.s32 @!p2 $0x19000, s12  }
0x5a: {  	[tilespmem:s17], [sflag:$0x1] =	stream.strided.gather @!p2 [hbm4b:s12+s13], $0x1900, s15, s13, $0x38;
	[tilespmem:$0x15C50] =	vst v63  }
0x5b: {  	s7 =	sadd.s32 $0x1, s7;
	s13 =	simm.s32 @!p2 $0x0  }
0x5c: {  	[tilespmem:s13], [sflag:$0x1] =	stream.linear.gather @!p2 [hbm4b:s12+s13], $0x3200, $0x38;
	[tilespmem:$0x15C50] =	vst v63  }
0x5d: {  	p2 =	sne.s32 s7, $0x10  }
.Ltmp3:
0x5e: {  	_ = 	snop;
	(pc) =	sbr.rel @!p2 .LBB2_9-.Ltmp3, $1  }
0x5f: {  	_ =	sdelay $0x3  }
.LBB2_2:
0x60: {  	_ =	swait.ge [sflag:s23], $0x1900  }
0x61: {  	[sflag:s23] =	ssyncset.done $0x0  }
0x62: {  	[sflag:s23] =	ssyncadd.s32 $0xFFFFE700  }
0x63: {  	_ =	swait.ge [sflag:s23], $0x3200  }
0x64: {  	[sflag:s23] =	ssyncset.done $0x0  }
0x65: {  	s17 =	simm.s32 $0xF0;
	[sflag:s23] =	ssyncadd.s32 $0xFFFFCE00  }
0x66: {  	v3 =	vld [tilespmem:s17+$0x0]  }
0x67: {  	v4 =	vld [tilespmem:s17+$0xFFFFFFA0]  }
0x68: {  	v5 =	vld [tilespmem:s17+$0xFFFFFFB0]  }
0x69: {  	v0 =	vld [tilespmem:s17+$0xFFFFFFC0]  }
0x6a: {  	s13 =	simm.s32 $0x9640;
	v1 =	vld [tilespmem:s17+$0xFFFFFFD0]  }
0x6b: {  	v2 =	vld [tilespmem:s17+$0xFFFFFFE0];
	[tilespmem:s13+$0x30] =	vst v3  }
0x6c: {  	s12 =	sshll.u32 s7, $0x6;
	[tilespmem:s13+$0xFFFFFFD0] =	vst v4;
	v3 =	vld [tilespmem:s17+$0xFFFFFFF0]  }
0x6d: {  	s15 =	simm.s32 $0x0;
	s12 =	sor.u32 s9, s12;
	v4 =	vld [tilespmem:s17+$0xFFFFFF90];
	[tilespmem:s13+$0xFFFFFFE0] =	vst v5;
	s17 =	simm.s32 $0x1F0  }
.LBB2_3:
0x6e: {  	v5 =	vld [tilespmem:s17+$0x0];
	s15 =	sadd.s32 $0x80, s15;
	[tilespmem:s13+$0xFFFFFFF0] =	vst v0  }
0x6f: {  	v6 =	vld [tilespmem:s17+$0xFFFFFFA0];
	p2 =	slt.u32 s15, $0x1880;
	[tilespmem:s13+$0x0] =	vst v1  }
0x70: {  	v7 =	vld [tilespmem:s17+$0xFFFFFFB0];
	[tilespmem:s13+$0x10] =	vst v2  }
.Ltmp4:
0x71: {  	v0 =	vld [tilespmem:s17+$0xFFFFFFC0];
	[tilespmem:s13+$0x20] =	vst v3;
	(pc) =	sbr.rel @p2 .LBB2_3-.Ltmp4, $4  }
0x72: {  	v1 =	vld [tilespmem:s17+$0xFFFFFFD0];
	[tilespmem:s13+$0xFFFFFFC0] =	vst v4;
	s13 =	sadd.s32 $0x80, s13  }
0x73: {  	v2 =	vld [tilespmem:s17+$0xFFFFFFE0];
	[tilespmem:s13+$0x30] =	vst v5  }
0x74: {  	[tilespmem:s13+$0xFFFFFFD0] =	vst v6;
	v3 =	vld [tilespmem:s17+$0xFFFFFFF0]  }
0x75: {  	v4 =	vld [tilespmem:s17+$0xFFFFFF90];
	[tilespmem:s13+$0xFFFFFFE0] =	vst v7;
	s17 =	sadd.s32 $0x100, s17  }
0x76: {  	[tilespmem:s13+$0xFFFFFFF0] =	vst v0  }
0x77: {  	[tilespmem:s13+$0x0] =	vst v1  }
0x78: {  	[tilespmem:s13+$0x10] =	vst v2  }
0x79: {  	[tilespmem:s13+$0x20] =	vst v3  }
0x7a: {  	[tilespmem:s13+$0xFFFFFFC0] =	vst v4  }
0x7b: {  	[spmem:s3] =	stream.indirect.scatter.add.f32 [tilespmem:s18], [sflag:$0x3], $0x1, s25, s24, $0xb8;
	[tilespmem:$0x15C50] =	vst v63  }
0x7c: {  	_ = 	snop  }
0x7d: {  	[tilespmem:s26], [sflag:$0x5] =	stream.indirect.gather [spmem:s4], $0x1, s22, s24, $0xb8;
	[tilespmem:$0x15C50] =	vst v63  }
0x7e: {  	_ =	swait.ge [sflag:s28], $0x1900  }
0x7f: {  	p2 =	seq.s32 s7, $0x0;
	[sflag:s28] =	ssyncset.done $0x0  }
0x80: {  	s15 =	simm.s32 @!p2 $0x4;
	s13 =	sor.u32 $0x20, s12;
	[sflag:s28] =	ssyncadd.s32 $0xFFFFE700  }
0x81: {  	[spmem:s2] =	stream.indirect.scatter.add.f32 [tilespmem:s26], [sflag:$0x3], $0x1, s25, s24, $0xb8;
	[tilespmem:$0x15C50] =	vst v63  }
0x82: {  	p3 =	sgt.u32 s13, $0x3E7;
	_ =	swait.ge @!p2 [sflag:s15], $0x1900  }
.Ltmp5:
0x83: {  	[sflag:s15] =	ssyncset.done @!p2 $0x0;
	(pc) =	sbr.rel @p3 .LBB2_8-.Ltmp5, $4  }
0x84: {  	[sflag:s15] =	ssyncadd.s32 @!p2 $0xFFFFE700  }
0x85: {  	_ =	swait.ge @!p2 [sflag:s15], $0x1900  }
0x86: {  	[sflag:s15] =	ssyncset.done @!p2 $0x0  }
0x87: {  	[sflag:s15] =	ssyncadd.s32 @!p2 $0xFFFFE700  }
0x88: {  	s13 =	smul.u32 $0x640, s13;
	_ =	sdelay $0x1  }
0x89: {  	s13 =	sadd.s32 s1, s13  }
0x8a: {  	[tilespmem:s29], [sflag:$0x2] =	stream.strided.gather [hbm4b:s13+s20], $0x1900, s21, s20, $0x38;
	[tilespmem:$0x15C50] =	vst v63  }
0x8b: {  	_ = 	snop  }
0x8c: {  	[tilespmem:s30], [sflag:$0x2] =	stream.linear.gather [hbm4b:s13+s5], $0x3200, $0x38;
	[tilespmem:$0x15C50] =	vst v63  }
0x8d: {  	_ =	swait.ge [sflag:s31], $0x1900  }
0x8e: {  	[sflag:s31] =	ssyncset.done $0x0  }
0x8f: {  	[sflag:s31] =	ssyncadd.s32 $0xFFFFE700  }
0x90: {  	_ =	swait.ge [sflag:s31], $0x3200  }
0x91: {  	[sflag:s31] =	ssyncset.done $0x0  }
0x92: {  	s17 =	simm.s32 $0x32F0;
	[sflag:s31] =	ssyncadd.s32 $0xFFFFCE00  }
0x93: {  	v3 =	vld [tilespmem:s17+$0x0]  }
0x94: {  	v4 =	vld [tilespmem:s17+$0xFFFFFFA0]  }
0x95: {  	v5 =	vld [tilespmem:s17+$0xFFFFFFB0]  }
0x96: {  	v0 =	vld [tilespmem:s17+$0xFFFFFFC0]  }
0x97: {  	s13 =	simm.s32 $0xAF40;
	v1 =	vld [tilespmem:s17+$0xFFFFFFD0]  }
0x98: {  	v2 =	vld [tilespmem:s17+$0xFFFFFFE0];
	[tilespmem:s13+$0x30] =	vst v3  }
0x99: {  	[tilespmem:s13+$0xFFFFFFD0] =	vst v4;
	v3 =	vld [tilespmem:s17+$0xFFFFFFF0]  }
0x9a: {  	s15 =	simm.s32 $0x0;
	v4 =	vld [tilespmem:s17+$0xFFFFFF90];
	[tilespmem:s13+$0xFFFFFFE0] =	vst v5;
	s17 =	simm.s32 $0x33F0  }
.LBB2_6:
0x9b: {  	v5 =	vld [tilespmem:s17+$0x0];
	s15 =	sadd.s32 $0x80, s15;
	[tilespmem:s13+$0xFFFFFFF0] =	vst v0  }
0x9c: {  	v6 =	vld [tilespmem:s17+$0xFFFFFFA0];
	p2 =	slt.u32 s15, $0x1880;
	[tilespmem:s13+$0x0] =	vst v1  }
0x9d: {  	v7 =	vld [tilespmem:s17+$0xFFFFFFB0];
	[tilespmem:s13+$0x10] =	vst v2  }
.Ltmp6:
0x9e: {  	v0 =	vld [tilespmem:s17+$0xFFFFFFC0];
	[tilespmem:s13+$0x20] =	vst v3;
	(pc) =	sbr.rel @p2 .LBB2_6-.Ltmp6, $4  }
0x9f: {  	v1 =	vld [tilespmem:s17+$0xFFFFFFD0];
	[tilespmem:s13+$0xFFFFFFC0] =	vst v4;
	s13 =	sadd.s32 $0x80, s13  }
0xa0: {  	v2 =	vld [tilespmem:s17+$0xFFFFFFE0];
	[tilespmem:s13+$0x30] =	vst v5  }
0xa1: {  	[tilespmem:s13+$0xFFFFFFD0] =	vst v6;
	v3 =	vld [tilespmem:s17+$0xFFFFFFF0]  }
0xa2: {  	v4 =	vld [tilespmem:s17+$0xFFFFFF90];
	[tilespmem:s13+$0xFFFFFFE0] =	vst v7;
	s17 =	sadd.s32 $0x100, s17  }
0xa3: {  	[tilespmem:s13+$0xFFFFFFF0] =	vst v0  }
0xa4: {  	[tilespmem:s13+$0x0] =	vst v1  }
0xa5: {  	[tilespmem:s13+$0x10] =	vst v2  }
0xa6: {  	[tilespmem:s13+$0x20] =	vst v3  }
0xa7: {  	[tilespmem:s13+$0xFFFFFFC0] =	vst v4  }
0xa8: {  	[spmem:s3] =	stream.indirect.scatter.add.f32 [tilespmem:s18], [sflag:$0x4], $0x1, s0, s24, $0xb8;
	[tilespmem:$0x15C50] =	vst v63  }
0xa9: {  	_ = 	snop  }
0xaa: {  	[tilespmem:s8], [sflag:$0x5] =	stream.indirect.gather [spmem:s4], $0x1, s29, s24, $0xb8;
	[tilespmem:$0x15C50] =	vst v63  }
.Ltmp7:
0xab: {  	_ = 	snop;
	(pc) =	sbr.rel .LBB2_8-.Ltmp7, $4  }
0xac: {  	_ =	swait.ge [sflag:s28], $0x1900  }
0xad: {  	[sflag:s28] =	ssyncset.done $0x0  }
0xae: {  	[sflag:s28] =	ssyncadd.s32 $0xFFFFE700  }
0xaf: {  	[spmem:s2] =	stream.indirect.scatter.add.f32 [tilespmem:s8], [sflag:$0x4], $0x1, s0, s24, $0xb8;
	[tilespmem:$0x15C50] =	vst v63  }
.LBB2_9:
.Ltmp8:
0xb0: {  	(pc) =	sbr.rel @!p1 .LBB2_10-.Ltmp8, $1  }
0xb1: {  	_ =	sdelay $0x3  }
.Ltmp9:
0xb2: {  	(pc) =	sbr.rel @p0 .LBB2_13-.Ltmp9, $4  }
.Ltmp10:
0xb3: {  	(pc) =	sbr.rel @!p0 .LBB2_12-.Ltmp10, $4  }
0xb4: {  	_ = 	snop  }
0xb5: {  	[bflag:$0x0] =	sbarrier.arrive $0xFFFF  }
0xb6: {  	_ = 	snop  }
0xb7: {  	_ = 	snop  }
.LBB2_14:
0xb8: {  	_ =	sfence.sel $0x180000  }
0xb9: {  	[bflag:$0x0] =	sbarrier.arrive $0xFFFF  }
0xba: {  	_ =	strace $0x90000047  }
0xbb: {  	s0 =	stileid.u32;
	[bflag:$0x2] =	sbarrier.arrive $0xFFFF  }
0xbc: {  	p0 =	sne.s32 s0, $0x0;
	s0 =	rddreg [dreg:$0x6]  }
0xbd: {  	s0 =	sadd.s32 @!p0 $0x100000, s0  }
0xbe: {  	[sflag:s0] =	ssyncadd.tile.s32 @!p0 $0x1;
	_ =	shalt  }
.Lfunc_end2:
_tile_overlayer_lowered:
.L_overlay_start_2:
0xbf: {  	(tag) =	ssettag $0x2  }
0xc0: {  	s0 =	rddreg [dreg:$0x0];
	s2 =	stileid.u32  }
0xc1: {  	s1 =	rddreg [dreg:$0x1];
	p0 =	sne.s32 s2, $0x0  }
0xc2: {  	s3 =	rddreg [dreg:$0x2];
	[bflag:$0x3] =	sbarrier.arrive $0xFFFF;
	s2 =	simm.s32 @!p0 $0x1C06  }
0xc3: {  	[timem:s3], [sflag:s2] =	dma.local @!p0 [hbm:s0], s1  }
0xc4: {  	s0 =	simm.s32 @!p0 $0x6  }
0xc5: {  	_ =	swait.ge @!p0 [sflag:s0], s1  }
0xc6: {  	s1 =	ssub.s32 @!p0 $0x0, s1;
	[sflag:s0] =	ssyncset.done @!p0 $0x0  }
0xc7: {  	[sflag:s0] =	ssyncadd.s32 @!p0 s1  }
0xc8: {  	[bflag:$0x3] =	sbarrier.arrive $0xFFFF  }
0xc9: {  	_ =	shalt  }

</sc_bundles>
